<compile_context>
chip_gen: v7x
topology: tpu7x:2x2x1
jax: 0.10.2.dev20260603
libtpu: 0.0.44.dev20260713+nightly
codegen_flags: <defaults>
</compile_context>

<pallas_src>
import functools

import jax
import jax.numpy as jnp
from jax import lax
from jax.experimental import pallas as pl
from jax.experimental.pallas import tpu as pltpu
from jax.experimental.pallas import tpu_sc as plsc

BN_EPS = 1e-5
C_WEIGHT = 1.0

NC = 2
NS = 16
L = 16
NW = NC * NS

G_DMA = 80
CH = 2000


def _psi(v):
    return jnp.sign(v) * jnp.log(jnp.abs(v) + 1.0)


def _iota16():
    return lax.iota(jnp.int32, 16)


def _make_sc_edge_features(n_nodes, n_edges):
    epw = n_edges // NW
    nchunk = epw // CH
    ng_dma = CH // G_DMA
    ngc = CH // L
    mesh = plsc.VectorSubcoreMesh(core_axis_name="c", subcore_axis_name="s")
    fdt = jnp.float32

    @functools.partial(
        pl.kernel,
        out_type=tuple(jax.ShapeDtypeStruct((n_edges,), fdt) for _ in range(5)),
        mesh=mesh,
        scratch_types=[
            pltpu.VMEM((1, ng_dma, G_DMA), jnp.int32),
            pltpu.VMEM((1, ng_dma, G_DMA), jnp.int32),
            pltpu.VMEM((CH, 4), fdt),
            pltpu.VMEM((CH, 4), fdt),
            pltpu.VMEM((CH,), fdt),
            pltpu.VMEM((CH,), fdt),
            pltpu.VMEM((CH,), fdt),
            pltpu.VMEM((CH,), fdt),
            pltpu.VMEM((CH,), fdt),
            pltpu.SemaphoreType.DMA,
        ],
        compiler_params=pltpu.CompilerParams(needs_layout_passes=False, use_tc_tiling_on_sc=False),
    )
    def edge_features(xpad, idx_i3, idx_j3,
                      nrm_out, dot_out, d0_out, d1_out, d2_out,
                      idx_i_v, idx_j_v, xi_v, xj_v,
                      nrm_v, dot_v, d0_v, d1_v, d2_v, sem):
        cid = lax.axis_index("c")
        sid = lax.axis_index("s")
        wid = sid * NC + cid

        c0 = jnp.full((16,), 0, jnp.int32)
        c1 = jnp.full((16,), 1, jnp.int32)
        c2 = jnp.full((16,), 2, jnp.int32)

        def chunk_body(c, _):
            gc = wid * nchunk + c
            pltpu.sync_copy(idx_i3.at[pl.ds(gc, 1)], idx_i_v)
            pltpu.sync_copy(idx_j3.at[pl.ds(gc, 1)], idx_j_v)

            def gather_issue(g, _):
                pltpu.async_copy(
                    xpad.at[idx_i_v.at[0, g]], xi_v.at[pl.ds(g * G_DMA, G_DMA)], sem)
                pltpu.async_copy(
                    xpad.at[idx_j_v.at[0, g]], xj_v.at[pl.ds(g * G_DMA, G_DMA)], sem)
                return 0

            def gather_drain(g, _):
                pltpu.make_async_copy(
                    xpad.at[idx_i_v.at[0, g]], xi_v.at[pl.ds(g * G_DMA, G_DMA)], sem).wait()
                pltpu.make_async_copy(
                    xpad.at[idx_j_v.at[0, g]], xj_v.at[pl.ds(g * G_DMA, G_DMA)], sem).wait()
                return 0

            lax.fori_loop(0, ng_dma, gather_issue, 0)
            lax.fori_loop(0, ng_dma, gather_drain, 0)

            def comp_body(gg, _):
                e0 = gg * L
                evec = e0 + _iota16()
                xi0 = plsc.load_gather(xi_v, [evec, c0])
                xi1 = plsc.load_gather(xi_v, [evec, c1])
                xi2 = plsc.load_gather(xi_v, [evec, c2])
                xj0 = plsc.load_gather(xj_v, [evec, c0])
                xj1 = plsc.load_gather(xj_v, [evec, c1])
                xj2 = plsc.load_gather(xj_v, [evec, c2])
                d0 = xi0 - xj0
                d1 = xi1 - xj1
                d2 = xi2 - xj2
                nrm_v[pl.ds(e0, L)] = d0 * d0 + d1 * d1 + d2 * d2
                dot_v[pl.ds(e0, L)] = xi0 * xj0 + xi1 * xj1 + xi2 * xj2
                d0_v[pl.ds(e0, L)] = d0
                d1_v[pl.ds(e0, L)] = d1
                d2_v[pl.ds(e0, L)] = d2
                return 0

            lax.fori_loop(0, ngc, comp_body, 0)

            ebase = wid * epw + c * CH
            pltpu.sync_copy(nrm_v, nrm_out.at[pl.ds(ebase, CH)])
            pltpu.sync_copy(dot_v, dot_out.at[pl.ds(ebase, CH)])
            pltpu.sync_copy(d0_v, d0_out.at[pl.ds(ebase, CH)])
            pltpu.sync_copy(d1_v, d1_out.at[pl.ds(ebase, CH)])
            pltpu.sync_copy(d2_v, d2_out.at[pl.ds(ebase, CH)])
            return 0

        lax.fori_loop(0, nchunk, chunk_body, 0)

    return edge_features


def _make_sc_scatter(n_pad, n_edges):
    epw = n_edges // NW
    nchunk = epw // CH
    ng_dma = CH // G_DMA
    ngc = CH // L
    stripe = n_pad // NS
    mesh = plsc.VectorSubcoreMesh(core_axis_name="c", subcore_axis_name="s")
    fdt = jnp.float32

    @functools.partial(
        pl.kernel,
        out_type=jax.ShapeDtypeStruct((NC, n_pad, 4), fdt),
        mesh=mesh,
        scratch_types=[
            pltpu.VMEM((1, ng_dma, G_DMA), jnp.int32),
            pltpu.VMEM((CH,), fdt),
            pltpu.VMEM((CH,), fdt),
            pltpu.VMEM((CH,), fdt),
            pltpu.VMEM((CH,), fdt),
            pltpu.VMEM((CH, 4), fdt),
            pltpu.VMEM_SHARED((n_pad, 4), fdt),
            pltpu.SemaphoreType.DMA,
        ],
        compiler_params=pltpu.CompilerParams(needs_layout_passes=False, use_tc_tiling_on_sc=False),
    )
    def scatter_mean(idx_i3, d0_in, d1_in, d2_in, phi_in, zeros_init,
                     acc_out,
                     idx_v, d0_v, d1_v, d2_v, phi_v, rows_v, acc_sh, sem):
        cid = lax.axis_index("c")
        sid = lax.axis_index("s")
        wid = sid * NC + cid

        c0 = jnp.full((16,), 0, jnp.int32)
        c1 = jnp.full((16,), 1, jnp.int32)
        c2 = jnp.full((16,), 2, jnp.int32)
        c3 = jnp.full((16,), 3, jnp.int32)
        ones = jnp.full((16,), 1.0, fdt)

        @pl.when(sid == 0)
        def _():
            pltpu.sync_copy(zeros_init, acc_sh)

        def fill_body(gg, _):
            evec = gg * L + _iota16()
            plsc.store_scatter(rows_v, [evec, c3], ones)
            return 0

        lax.fori_loop(0, ngc, fill_body, 0)
        plsc.subcore_barrier()

        def chunk_body(c, _):
            gc = wid * nchunk + c
            ebase = wid * epw + c * CH
            pltpu.sync_copy(idx_i3.at[pl.ds(gc, 1)], idx_v)
            pltpu.sync_copy(d0_in.at[pl.ds(ebase, CH)], d0_v)
            pltpu.sync_copy(d1_in.at[pl.ds(ebase, CH)], d1_v)
            pltpu.sync_copy(d2_in.at[pl.ds(ebase, CH)], d2_v)
            pltpu.sync_copy(phi_in.at[pl.ds(ebase, CH)], phi_v)

            def comp_body(gg, _):
                e0 = gg * L
                evec = e0 + _iota16()
                ph = phi_v[pl.ds(e0, L)]
                u0 = jnp.clip(d0_v[pl.ds(e0, L)] * ph, -100.0, 100.0)
                u1 = jnp.clip(d1_v[pl.ds(e0, L)] * ph, -100.0, 100.0)
                u2 = jnp.clip(d2_v[pl.ds(e0, L)] * ph, -100.0, 100.0)
                plsc.store_scatter(rows_v, [evec, c0], u0)
                plsc.store_scatter(rows_v, [evec, c1], u1)
                plsc.store_scatter(rows_v, [evec, c2], u2)
                return 0

            lax.fori_loop(0, ngc, comp_body, 0)

            def scat_issue(g, _):
                pltpu.async_copy(rows_v.at[pl.ds(g * G_DMA, G_DMA)],
                                 acc_sh.at[idx_v.at[0, g]], sem, add=True)
                return 0

            def scat_drain(g, _):
                pltpu.make_async_copy(rows_v.at[pl.ds(g * G_DMA, G_DMA)],
                                      acc_sh.at[idx_v.at[0, g]], sem).wait()
                return 0

            lax.fori_loop(0, ng_dma, scat_issue, 0)
            lax.fori_loop(0, ng_dma, scat_drain, 0)
            return 0

        lax.fori_loop(0, nchunk, chunk_body, 0)
        plsc.subcore_barrier()

        r0 = sid * stripe
        pltpu.sync_copy(acc_sh.at[pl.ds(r0, stripe)],
                        acc_out.at[cid, pl.ds(r0, stripe)])

    return scatter_mean


def _stats_kernel(n_ref, d_ref, o_ref, acc_ref):
    b = pl.program_id(0)
    nblk = pl.num_programs(0)
    pn = _psi(n_ref[0, 0, :].reshape(-1, 128))
    pd = _psi(d_ref[0, 0, :].reshape(-1, 128))

    @pl.when(b == 0)
    def _():
        acc_ref[...] = jnp.zeros_like(acc_ref)

    acc_ref[0, :] += jnp.sum(pn, axis=0)
    acc_ref[1, :] += jnp.sum(pd, axis=0)
    acc_ref[2, :] += jnp.sum(pn * pn, axis=0)
    acc_ref[3, :] += jnp.sum(pd * pd, axis=0)
    acc_ref[4, :] += jnp.sum(pn * pd, axis=0)

    @pl.when(b == nblk - 1)
    def _():
        o_ref[...] = jnp.sum(acc_ref[...], axis=1, keepdims=True)


def _mlp_kernel(n_ref, d_ref, w0_ref, w1_ref, b1_ref, W2T_ref, b2_ref,
                wmbc_ref, bm_ref, Wx1T_ref, bx1_ref, wx2c_ref, m_ref, phi_ref):
    pn = _psi(n_ref[0, 0, :])[:, None]
    pd = _psi(d_ref[0, 0, :])[:, None]
    h = pn * w0_ref[...] + pd * w1_ref[...] + b1_ref[...]
    h = jnp.maximum(h, 0.0)
    m = jnp.dot(h, W2T_ref[...], preferred_element_type=jnp.float32)
    m = jnp.maximum(m + b2_ref[...], 0.0)
    gate = jnp.dot(m, wmbc_ref[...], preferred_element_type=jnp.float32)
    w = jax.nn.sigmoid(gate + bm_ref[...])
    mg = m * w
    m_ref[...] = mg
    t = jnp.dot(mg, Wx1T_ref[...], preferred_element_type=jnp.float32)
    t = jnp.maximum(t + bx1_ref[...], 0.0)
    phi_ref[...] = jnp.dot(t, wx2c_ref[...], preferred_element_type=jnp.float32)


def _combine_kernel(x_ref, acc_ref, o_ref):
    a = acc_ref[0] + acc_ref[1]
    cnt = a[:, 3:4]
    o_ref[...] = x_ref[...] + (a / jnp.maximum(cnt, 1.0)) * C_WEIGHT


def kernel(x, edge_index, W1, bn_gamma, bn_beta, W2, b2, Wx1, bx1, Wx2, Wm, bm):
    n_nodes = x.shape[0]
    n_edges = edge_index.shape[1]
    H = W1.shape[0]
    fdt = jnp.float32

    i_idx = edge_index[0].astype(jnp.int32)
    j_idx = edge_index[1].astype(jnp.int32)
    nchunks_total = n_edges // CH
    idx_i3 = i_idx.reshape(nchunks_total, CH // G_DMA, G_DMA)
    idx_j3 = j_idx.reshape(nchunks_total, CH // G_DMA, G_DMA)
    xpad = jnp.concatenate([x, jnp.zeros((n_nodes, 1), fdt)], axis=1)

    nrm, dot, d0, d1, d2 = _make_sc_edge_features(n_nodes, n_edges)(
        xpad, idx_i3, idx_j3)

    be2 = 32000
    g2 = n_edges // be2
    sums = pl.pallas_call(
        _stats_kernel,
        grid=(g2,),
        in_specs=[
            pl.BlockSpec((1, 1, be2), lambda b: (b, 0, 0)),
            pl.BlockSpec((1, 1, be2), lambda b: (b, 0, 0)),
        ],
        out_specs=pl.BlockSpec((8, 1), lambda b: (0, 0)),
        out_shape=jax.ShapeDtypeStruct((8, 1), fdt),
        scratch_shapes=[pltpu.VMEM((8, 128), fdt)],
    )(nrm.reshape(g2, 1, be2), dot.reshape(g2, 1, be2))

    s = sums[:, 0]
    inv_e = 1.0 / n_edges
    mean_n = s[0] * inv_e
    mean_d = s[1] * inv_e
    var_n = s[2] * inv_e - mean_n * mean_n
    var_d = s[3] * inv_e - mean_d * mean_d
    cov_nd = s[4] * inv_e - mean_n * mean_d
    w1n = W1[:, 0]
    w1d = W1[:, 1]
    mu = w1n * mean_n + w1d * mean_d
    var = w1n * w1n * var_n + 2.0 * w1n * w1d * cov_nd + w1d * w1d * var_d
    scale = bn_gamma / jnp.sqrt(var + BN_EPS)
    weff0 = (w1n * scale)[None, :]
    weff1 = (w1d * scale)[None, :]
    beff = (bn_beta - mu * scale)[None, :]

    be3 = 8000
    g3 = n_edges // be3
    full = lambda shp: pl.BlockSpec(shp, lambda b: tuple(0 for _ in shp))
    m_ij, phi3 = pl.pallas_call(
        _mlp_kernel,
        grid=(g3,),
        in_specs=[
            pl.BlockSpec((1, 1, be3), lambda b: (b, 0, 0)),
            pl.BlockSpec((1, 1, be3), lambda b: (b, 0, 0)),
            full((1, H)), full((1, H)), full((1, H)),
            full((H, H)), full((1, H)),
            full((H, H)), full((1, 1)),
            full((H, H)), full((1, H)), full((H, 1)),
        ],
        out_specs=[
            pl.BlockSpec((be3, H), lambda b: (b, 0)),
            pl.BlockSpec((be3, 1), lambda b: (b, 0)),
        ],
        out_shape=[
            jax.ShapeDtypeStruct((n_edges, H), fdt),
            jax.ShapeDtypeStruct((n_edges, 1), fdt),
        ],
    )(nrm.reshape(g3, 1, be3), dot.reshape(g3, 1, be3),
      weff0, weff1, beff, W2.T, b2[None, :],
      jnp.broadcast_to(Wm.reshape(H, 1), (H, H)), bm[None, :],
      Wx1.T, bx1[None, :], Wx2.reshape(H, 1))
    phi = phi3.reshape(n_edges)

    n_pad = ((n_nodes + NS * 8 - 1) // (NS * 8)) * NS * 8
    zeros_init = jnp.zeros((n_pad, 4), fdt)
    acc = _make_sc_scatter(n_pad, n_edges)(
        idx_i3, d0, d1, d2, phi, zeros_init)

    x4 = jnp.pad(x, ((0, n_pad - n_nodes), (0, 1)))
    br = n_pad // 8
    x4t = pl.pallas_call(
        _combine_kernel,
        grid=(8,),
        in_specs=[
            pl.BlockSpec((br, 4), lambda b: (b, 0)),
            pl.BlockSpec((NC, br, 4), lambda b: (0, b, 0)),
        ],
        out_specs=pl.BlockSpec((br, 4), lambda b: (b, 0)),
        out_shape=jax.ShapeDtypeStruct((n_pad, 4), fdt),
    )(x4, acc)
    x_tilde = x4t[:n_nodes, :3]

    return (x_tilde, m_ij)

# --- scband reference (transcript-rebuilt; emitter-appended) ---
"""Pipeline reference for scband-eb-936302870591 (READ-ONLY COPY).

The authoritative reference and input builder live on the scoring server;
editing this copy changes nothing except your own understanding.
"""

import jax, jax.numpy as jnp
import numpy as np

N = 50000
E = 1600000
D = 3
H = 32
C_WEIGHT = 1.0
BN_EPS = 1e-5


def psi(v):
    return jnp.sign(v) * jnp.log(jnp.abs(v) + 1.0)


def setup_inputs(seed: int = 0) -> dict:
    key = jax.random.key(seed)
    ks = jax.random.split(key, 12)
    x = jax.random.normal(ks[0], (N, D), dtype=jnp.float32)
    edge_index = jax.random.randint(ks[1], (2, E), 0, N)
    W1 = jax.random.normal(ks[2], (H, 2), dtype=jnp.float32) / np.sqrt(2.0)
    bn_gamma = jnp.ones((H,), dtype=jnp.float32)
    bn_beta = jnp.zeros((H,), dtype=jnp.float32)
    W2 = jax.random.normal(ks[3], (H, H), dtype=jnp.float32) / np.sqrt(H)
    b2 = jnp.zeros((H,), dtype=jnp.float32)
    Wx1 = jax.random.normal(ks[4], (H, H), dtype=jnp.float32) / np.sqrt(H)
    bx1 = jnp.zeros((H,), dtype=jnp.float32)
    Wx2 = jax.random.normal(ks[5], (1, H), dtype=jnp.float32) * (0.001 / np.sqrt(H))
    Wm = jax.random.normal(ks[6], (1, H), dtype=jnp.float32) / np.sqrt(H)
    bm = jnp.zeros((1,), dtype=jnp.float32)
    return {"x": x, "edge_index": edge_index, "W1": W1, "bn_gamma": bn_gamma,
            "bn_beta": bn_beta, "W2": W2, "b2": b2, "Wx1": Wx1, "bx1": bx1,
            "Wx2": Wx2, "Wm": Wm, "bm": bm}


def reference(x, edge_index, W1, bn_gamma, bn_beta, W2, b2, Wx1, bx1, Wx2, Wm, bm):
    i = edge_index[0]
    j = edge_index[1]
    # euclidean_feats: gather endpoints, pairwise diff, psi-compressed norms/dots
    xi = jnp.take(x, i, axis=0)
    xj = jnp.take(x, j, axis=0)
    x_diff = xi - xj
    norms = psi(jnp.sum(x_diff * x_diff, axis=1, keepdims=True))
    dots = psi(jnp.sum(xi * xj, axis=1, keepdims=True))
    # message: phi_e = Linear(2->H, no bias) -> BatchNorm1d(train stats) -> ReLU -> Linear(H->H) -> ReLU
    m_in = jnp.concatenate([norms, dots], axis=1)
    h = m_in @ W1.T
    mu = jnp.mean(h, axis=0)
    var = jnp.mean((h - mu) ** 2, axis=0)
    h = (h - mu) / jnp.sqrt(var + BN_EPS) * bn_gamma + bn_beta
    h = jax.nn.relu(h)
    m_ij = jax.nn.relu(h @ W2.T + b2)
    # phi_m gating
    w = jax.nn.sigmoid(m_ij @ Wm.T + bm)
    m_ij = m_ij * w
    # x_model: phi_x scalar per edge, clamp, unsorted_segment_mean over dst i
    phi_x_out = jax.nn.relu(m_ij @ Wx1.T + bx1) @ Wx2.T
    update_val = jnp.clip(x_diff * phi_x_out, -100.0, 100.0)
    seg_sum = jnp.zeros((x.shape[0], x.shape[1]), dtype=x.dtype).at[i].add(update_val)
    count = jnp.zeros((x.shape[0],), dtype=x.dtype).at[i].add(1.0)
    x_agg = seg_sum / jnp.clip(count, 1.0, None)[:, None]
    x_tilde = x + x_agg * C_WEIGHT
    return (x_tilde, m_ij)

if __name__ == "__main__":
    import jax
    _d = setup_inputs()
    print(jax.jit(kernel)(*tuple(_d.values())))

</pallas_src>

<mosaic_0001>
#map = affine_map<(d0, d1) -> (0, 0, 0)>
#map1 = affine_map<(d0, d1) -> (0)>
#map2 = affine_map<(d0, d1) -> (0, 0)>
module attributes {stable_mosaic.version = 14 : i64} {
  func.func @scatter_mean(%arg0: i32, %arg1: i32, %arg2: memref<800x25x80xi32, #tpu.memory_space<hbm>>, %arg3: memref<1600000xf32, #tpu.memory_space<hbm>>, %arg4: memref<1600000xf32, #tpu.memory_space<hbm>>, %arg5: memref<1600000xf32, #tpu.memory_space<hbm>>, %arg6: memref<1600000xf32, #tpu.memory_space<hbm>>, %arg7: memref<50048x4xf32, #tpu.memory_space<hbm>>, %arg8: memref<2x50048x4xf32, #tpu.memory_space<hbm>>, %arg9: memref<1x25x80xi32, #tpu.memory_space<vmem>>, %arg10: memref<2000xf32, #tpu.memory_space<vmem>>, %arg11: memref<2000xf32, #tpu.memory_space<vmem>>, %arg12: memref<2000xf32, #tpu.memory_space<vmem>>, %arg13: memref<2000xf32, #tpu.memory_space<vmem>>, %arg14: memref<2000x4xf32, #tpu.memory_space<vmem>>, %arg15: memref<50048x4xf32, #tpu.memory_space<vmem_shared>>, %arg16: memref<!tpu.dma_semaphore, #tpu.memory_space<semaphore_mem>>) attributes {dimension_semantics = [#tpu.dimension_semantics<core_parallel>, #tpu.dimension_semantics<subcore_parallel>], iteration_bounds = array<i64: 2, 16>, scalar_prefetch = 0 : i64, scratch_operands = 8 : i64, tpu.core_type = #tpu.core_type<sc_vector_subcore>, window_params = [{transform_indices = #map}, {transform_indices = #map1}, {transform_indices = #map1}, {transform_indices = #map1}, {transform_indices = #map1}, {transform_indices = #map2}, {transform_indices = #map}]} {
    %mul3A = arith.constant 2 : i32
    %mul3A_0 = arith.muli %arg1, %mul3A : i32
    %add3A = arith.addi %mul3A_0, %arg0 : i32
    %broadcast_in_dim3A = arith.constant 0 : i32
    %broadcast_in_dim3A_1 = vector.broadcast %broadcast_in_dim3A : i32 to vector<16xi32>
    %broadcast_in_dim3A_2 = arith.constant 1 : i32
    %broadcast_in_dim3A_3 = vector.broadcast %broadcast_in_dim3A_2 : i32 to vector<16xi32>
    %broadcast_in_dim3A_4 = arith.constant 2 : i32
    %broadcast_in_dim3A_5 = vector.broadcast %broadcast_in_dim3A_4 : i32 to vector<16xi32>
    %broadcast_in_dim3A_6 = arith.constant 3 : i32
    %broadcast_in_dim3A_7 = vector.broadcast %broadcast_in_dim3A_6 : i32 to vector<16xi32>
    %broadcast_in_dim3A_8 = arith.constant 1.000000e+00 : f32
    %broadcast_in_dim3A_9 = vector.broadcast %broadcast_in_dim3A_8 : f32 to vector<16xf32>
    %eq3A = arith.constant 0 : i32
    %eq3A_10 = arith.cmpi eq, %arg1, %eq3A : i32
    %convert_element_type3A = arith.extui %eq3A_10 : i1 to i32
    %cond3A = arith.constant 0 : i32
    %cond3A_11 = arith.cmpi ne, %convert_element_type3A, %cond3A : i32
    scf.if %cond3A_11 {
      "tpu.region"() ({
        %run_scoped3A = tpu.sem_alloc : memref<!tpu.dma_semaphore, #tpu.memory_space<semaphore_mem>>
        tpu.enqueue_dma source(%arg7 : memref<50048x4xf32, #tpu.memory_space<hbm>>) target(%arg15 : memref<50048x4xf32, #tpu.memory_space<vmem_shared>>) target_semaphore(%run_scoped3A : memref<!tpu.dma_semaphore, #tpu.memory_space<semaphore_mem>>)
        tpu.wait_dma2 semaphore(%run_scoped3A : memref<!tpu.dma_semaphore, #tpu.memory_space<semaphore_mem>>) src(%arg7 : memref<50048x4xf32, #tpu.memory_space<hbm>>) dst(%arg15 : memref<50048x4xf32, #tpu.memory_space<vmem_shared>>)
        tpu.yield
      }) : () -> ()
    } else {
    }
    %scan3A = arith.constant 0 : i32
    %scan3A_12 = arith.constant 0 : i32
    %scan3A_13 = arith.constant 125 : i32
    %scan3A_14 = arith.addi %scan3A_12, %scan3A_13 : i32
    %scan3A_15 = arith.constant 1 : i32
    %scan3A_16 = scf.for %scan3A_28 = %scan3A_12 to %scan3A_14 step %scan3A_15 iter_args(%scan3A_29 = %scan3A) -> (i32)  : i32 {
      %mul3A_30 = arith.constant 16 : i32
      %mul3A_31 = arith.muli %scan3A_28, %mul3A_30 : i32
      %iota3A = tpu.iota {dimensions = array<i32: 0>} : vector<16xi32>
      %add3A_32 = vector.broadcast %mul3A_31 : i32 to vector<16xi32>
      %add3A_33 = arith.addi %add3A_32, %iota3A : vector<16xi32>
      tpu.vector_store_idx %arg14[%add3A_33, %broadcast_in_dim3A_7], %broadcast_in_dim3A_9 : memref<2000x4xf32, #tpu.memory_space<vmem>>[vector<16xi32>, vector<16xi32>], vector<16xf32>,
      %scan3A_34 = arith.constant 0 : i32
      scf.yield %scan3A_34 : i32
    }
    %scan3A_17 = arith.constant 125 : i32
    %barrier3A = arith.constant 0 : index
    tpu.barrier barrier_id(%barrier3A)
    %scan3A_18 = arith.constant 0 : i32
    %scan3A_19 = arith.constant 0 : i32
    %scan3A_20 = arith.constant 25 : i32
    %scan3A_21 = arith.addi %scan3A_19, %scan3A_20 : i32
    %scan3A_22 = arith.constant 1 : i32
    %scan3A_23 = scf.for %scan3A_28 = %scan3A_19 to %scan3A_21 step %scan3A_22 iter_args(%scan3A_29 = %scan3A_18) -> (i32)  : i32 {
      %mul3A_30 = arith.constant 25 : i32
      %mul3A_31 = arith.muli %add3A, %mul3A_30 : i32
      %add3A_32 = arith.addi %mul3A_31, %scan3A_28 : i32
      %mul3A_33 = arith.constant 50000 : i32
      %mul3A_34 = arith.muli %add3A, %mul3A_33 : i32
      %mul3A_35 = arith.constant 2000 : i32
      %mul3A_36 = arith.muli %scan3A_28, %mul3A_35 : i32
      %add3A_37 = arith.addi %mul3A_34, %mul3A_36 : i32
      "tpu.region"() ({
        %run_scoped3A = tpu.sem_alloc : memref<!tpu.dma_semaphore, #tpu.memory_space<semaphore_mem>>
        %dma_start3A = arith.constant 0 : i32
        %dma_start3A_60 = arith.constant 0 : i32
        %dma_start3A_61 = tpu.memref_slice %arg2[%add3A_32, %dma_start3A, %dma_start3A_60] : memref<800x25x80xi32, #tpu.memory_space<hbm>> -> memref<1x25x80xi32, #tpu.memory_space<hbm>>
        %dma_start3A_62 = arith.constant 0 : i32
        %dma_start3A_63 = arith.constant 0 : i32
        %dma_start3A_64 = tpu.memref_slice %arg2[%add3A_32, %dma_start3A_62, %dma_start3A_63] : memref<800x25x80xi32, #tpu.memory_space<hbm>> -> memref<1x25x80xi32, #tpu.memory_space<hbm>>
        tpu.enqueue_dma source(%dma_start3A_64 : memref<1x25x80xi32, #tpu.memory_space<hbm>>) target(%arg9 : memref<1x25x80xi32, #tpu.memory_space<vmem>>) target_semaphore(%run_scoped3A : memref<!tpu.dma_semaphore, #tpu.memory_space<semaphore_mem>>)
        %dma_wait3A = arith.constant 0 : i32
        %dma_wait3A_65 = arith.constant 0 : i32
        %dma_wait3A_66 = tpu.memref_slice %arg2[%add3A_32, %dma_wait3A, %dma_wait3A_65] : memref<800x25x80xi32, #tpu.memory_space<hbm>> -> memref<1x25x80xi32, #tpu.memory_space<hbm>>
        %dma_wait3A_67 = arith.constant 0 : i32
        %dma_wait3A_68 = arith.constant 0 : i32
        %dma_wait3A_69 = tpu.memref_slice %arg2[%add3A_32, %dma_wait3A_67, %dma_wait3A_68] : memref<800x25x80xi32, #tpu.memory_space<hbm>> -> memref<1x25x80xi32, #tpu.memory_space<hbm>>
        tpu.wait_dma2 semaphore(%run_scoped3A : memref<!tpu.dma_semaphore, #tpu.memory_space<semaphore_mem>>) src(%dma_wait3A_69 : memref<1x25x80xi32, #tpu.memory_space<hbm>>) dst(%arg9 : memref<1x25x80xi32, #tpu.memory_space<vmem>>)
        tpu.yield
      }) : () -> ()
      "tpu.region"() ({
        %run_scoped3A = tpu.sem_alloc : memref<!tpu.dma_semaphore, #tpu.memory_space<semaphore_mem>>
        %dma_start3A = tpu.memref_slice %arg3[%add3A_37] : memref<1600000xf32, #tpu.memory_space<hbm>> -> memref<2000xf32, #tpu.memory_space<hbm>>
        %dma_start3A_60 = tpu.memref_slice %arg3[%add3A_37] : memref<1600000xf32, #tpu.memory_space<hbm>> -> memref<2000xf32, #tpu.memory_space<hbm>>
        tpu.enqueue_dma source(%dma_start3A_60 : memref<2000xf32, #tpu.memory_space<hbm>>) target(%arg10 : memref<2000xf32, #tpu.memory_space<vmem>>) target_semaphore(%run_scoped3A : memref<!tpu.dma_semaphore, #tpu.memory_space<semaphore_mem>>)
        %dma_wait3A = tpu.memref_slice %arg3[%add3A_37] : memref<1600000xf32, #tpu.memory_space<hbm>> -> memref<2000xf32, #tpu.memory_space<hbm>>
        %dma_wait3A_61 = tpu.memref_slice %arg3[%add3A_37] : memref<1600000xf32, #tpu.memory_space<hbm>> -> memref<2000xf32, #tpu.memory_space<hbm>>
        tpu.wait_dma2 semaphore(%run_scoped3A : memref<!tpu.dma_semaphore, #tpu.memory_space<semaphore_mem>>) src(%dma_wait3A_61 : memref<2000xf32, #tpu.memory_space<hbm>>) dst(%arg10 : memref<2000xf32, #tpu.memory_space<vmem>>)
        tpu.yield
      }) : () -> ()
      "tpu.region"() ({
        %run_scoped3A = tpu.sem_alloc : memref<!tpu.dma_semaphore, #tpu.memory_space<semaphore_mem>>
        %dma_start3A = tpu.memref_slice %arg4[%add3A_37] : memref<1600000xf32, #tpu.memory_space<hbm>> -> memref<2000xf32, #tpu.memory_space<hbm>>
        %dma_start3A_60 = tpu.memref_slice %arg4[%add3A_37] : memref<1600000xf32, #tpu.memory_space<hbm>> -> memref<2000xf32, #tpu.memory_space<hbm>>
        tpu.enqueue_dma source(%dma_start3A_60 : memref<2000xf32, #tpu.memory_space<hbm>>) target(%arg11 : memref<2000xf32, #tpu.memory_space<vmem>>) target_semaphore(%run_scoped3A : memref<!tpu.dma_semaphore, #tpu.memory_space<semaphore_mem>>)
        %dma_wait3A = tpu.memref_slice %arg4[%add3A_37] : memref<1600000xf32, #tpu.memory_space<hbm>> -> memref<2000xf32, #tpu.memory_space<hbm>>
        %dma_wait3A_61 = tpu.memref_slice %arg4[%add3A_37] : memref<1600000xf32, #tpu.memory_space<hbm>> -> memref<2000xf32, #tpu.memory_space<hbm>>
        tpu.wait_dma2 semaphore(%run_scoped3A : memref<!tpu.dma_semaphore, #tpu.memory_space<semaphore_mem>>) src(%dma_wait3A_61 : memref<2000xf32, #tpu.memory_space<hbm>>) dst(%arg11 : memref<2000xf32, #tpu.memory_space<vmem>>)
        tpu.yield
      }) : () -> ()
      "tpu.region"() ({
        %run_scoped3A = tpu.sem_alloc : memref<!tpu.dma_semaphore, #tpu.memory_space<semaphore_mem>>
        %dma_start3A = tpu.memref_slice %arg5[%add3A_37] : memref<1600000xf32, #tpu.memory_space<hbm>> -> memref<2000xf32, #tpu.memory_space<hbm>>
        %dma_start3A_60 = tpu.memref_slice %arg5[%add3A_37] : memref<1600000xf32, #tpu.memory_space<hbm>> -> memref<2000xf32, #tpu.memory_space<hbm>>
        tpu.enqueue_dma source(%dma_start3A_60 : memref<2000xf32, #tpu.memory_space<hbm>>) target(%arg12 : memref<2000xf32, #tpu.memory_space<vmem>>) target_semaphore(%run_scoped3A : memref<!tpu.dma_semaphore, #tpu.memory_space<semaphore_mem>>)
        %dma_wait3A = tpu.memref_slice %arg5[%add3A_37] : memref<1600000xf32, #tpu.memory_space<hbm>> -> memref<2000xf32, #tpu.memory_space<hbm>>
        %dma_wait3A_61 = tpu.memref_slice %arg5[%add3A_37] : memref<1600000xf32, #tpu.memory_space<hbm>> -> memref<2000xf32, #tpu.memory_space<hbm>>
        tpu.wait_dma2 semaphore(%run_scoped3A : memref<!tpu.dma_semaphore, #tpu.memory_space<semaphore_mem>>) src(%dma_wait3A_61 : memref<2000xf32, #tpu.memory_space<hbm>>) dst(%arg12 : memref<2000xf32, #tpu.memory_space<vmem>>)
        tpu.yield
      }) : () -> ()
      "tpu.region"() ({
        %run_scoped3A = tpu.sem_alloc : memref<!tpu.dma_semaphore, #tpu.memory_space<semaphore_mem>>
        %dma_start3A = tpu.memref_slice %arg6[%add3A_37] : memref<1600000xf32, #tpu.memory_space<hbm>> -> memref<2000xf32, #tpu.memory_space<hbm>>
        %dma_start3A_60 = tpu.memref_slice %arg6[%add3A_37] : memref<1600000xf32, #tpu.memory_space<hbm>> -> memref<2000xf32, #tpu.memory_space<hbm>>
        tpu.enqueue_dma source(%dma_start3A_60 : memref<2000xf32, #tpu.memory_space<hbm>>) target(%arg13 : memref<2000xf32, #tpu.memory_space<vmem>>) target_semaphore(%run_scoped3A : memref<!tpu.dma_semaphore, #tpu.memory_space<semaphore_mem>>)
        %dma_wait3A = tpu.memref_slice %arg6[%add3A_37] : memref<1600000xf32, #tpu.memory_space<hbm>> -> memref<2000xf32, #tpu.memory_space<hbm>>
        %dma_wait3A_61 = tpu.memref_slice %arg6[%add3A_37] : memref<1600000xf32, #tpu.memory_space<hbm>> -> memref<2000xf32, #tpu.memory_space<hbm>>
        tpu.wait_dma2 semaphore(%run_scoped3A : memref<!tpu.dma_semaphore, #tpu.memory_space<semaphore_mem>>) src(%dma_wait3A_61 : memref<2000xf32, #tpu.memory_space<hbm>>) dst(%arg13 : memref<2000xf32, #tpu.memory_space<vmem>>)
        tpu.yield
      }) : () -> ()
      %scan3A_38 = arith.constant 0 : i32
      %scan3A_39 = arith.constant 0 : i32
      %scan3A_40 = arith.constant 125 : i32
      %scan3A_41 = arith.addi %scan3A_39, %scan3A_40 : i32
      %scan3A_42 = arith.constant 1 : i32
      %scan3A_43 = scf.for %scan3A_60 = %scan3A_39 to %scan3A_41 step %scan3A_42 iter_args(%scan3A_61 = %scan3A_38) -> (i32)  : i32 {
        %mul3A_62 = arith.constant 16 : i32
        %mul3A_63 = arith.muli %scan3A_60, %mul3A_62 : i32
        %iota3A = tpu.iota {dimensions = array<i32: 0>} : vector<16xi32>
        %add3A_64 = vector.broadcast %mul3A_63 : i32 to vector<16xi32>
        %add3A_65 = arith.addi %add3A_64, %iota3A : vector<16xi32>
        %get3A = arith.index_cast %mul3A_63 : i32 to index
        %get3A_66 = tpu.vector_load %arg13[%get3A] {strides = array<i32>} : memref<2000xf32, #tpu.memory_space<vmem>>, vector<16xf32>,
        %get3A_67 = arith.index_cast %mul3A_63 : i32 to index
        %get3A_68 = tpu.vector_load %arg10[%get3A_67] {strides = array<i32>} : memref<2000xf32, #tpu.memory_space<vmem>>, vector<16xf32>,
        %mul3A_69 = arith.mulf %get3A_68, %get3A_66 : vector<16xf32>
        %jit3A = arith.constant -1.000000e+02 : f32
        %jit3A_70 = arith.constant 1.000000e+02 : f32
        %max3A = vector.broadcast %jit3A : f32 to vector<16xf32>
        %max3A_71 = arith.maximumf %max3A, %mul3A_69 : vector<16xf32>
        %min3A = vector.broadcast %jit3A_70 : f32 to vector<16xf32>
        %min3A_72 = arith.minimumf %min3A, %max3A_71 : vector<16xf32>
        %get3A_73 = arith.index_cast %mul3A_63 : i32 to index
        %get3A_74 = tpu.vector_load %arg11[%get3A_73] {strides = array<i32>} : memref<2000xf32, #tpu.memory_space<vmem>>, vector<16xf32>,
        %mul3A_75 = arith.mulf %get3A_74, %get3A_66 : vector<16xf32>
        %jit3A_76 = arith.constant -1.000000e+02 : f32
        %jit3A_77 = arith.constant 1.000000e+02 : f32
        %max3A_78 = vector.broadcast %jit3A_76 : f32 to vector<16xf32>
        %max3A_79 = arith.maximumf %max3A_78, %mul3A_75 : vector<16xf32>
        %min3A_80 = vector.broadcast %jit3A_77 : f32 to vector<16xf32>
        %min3A_81 = arith.minimumf %min3A_80, %max3A_79 : vector<16xf32>
        %get3A_82 = arith.index_cast %mul3A_63 : i32 to index
        %get3A_83 = tpu.vector_load %arg12[%get3A_82] {strides = array<i32>} : memref<2000xf32, #tpu.memory_space<vmem>>, vector<16xf32>,
        %mul3A_84 = arith.mulf %get3A_83, %get3A_66 : vector<16xf32>
        %jit3A_85 = arith.constant -1.000000e+02 : f32
        %jit3A_86 = arith.constant 1.000000e+02 : f32
        %max3A_87 = vector.broadcast %jit3A_85 : f32 to vector<16xf32>
        %max3A_88 = arith.maximumf %max3A_87, %mul3A_84 : vector<16xf32>
        %min3A_89 = vector.broadcast %jit3A_86 : f32 to vector<16xf32>
        %min3A_90 = arith.minimumf %min3A_89, %max3A_88 : vector<16xf32>
        tpu.vector_store_idx %arg14[%add3A_65, %broadcast_in_dim3A_1], %min3A_72 : memref<2000x4xf32, #tpu.memory_space<vmem>>[vector<16xi32>, vector<16xi32>], vector<16xf32>,
        tpu.vector_store_idx %arg14[%add3A_65, %broadcast_in_dim3A_3], %min3A_81 : memref<2000x4xf32, #tpu.memory_space<vmem>>[vector<16xi32>, vector<16xi32>], vector<16xf32>,
        tpu.vector_store_idx %arg14[%add3A_65, %broadcast_in_dim3A_5], %min3A_90 : memref<2000x4xf32, #tpu.memory_space<vmem>>[vector<16xi32>, vector<16xi32>], vector<16xf32>,
        %scan3A_91 = arith.constant 0 : i32
        scf.yield %scan3A_91 : i32
      }
      %scan3A_44 = arith.constant 125 : i32
      %scan3A_45 = arith.constant 0 : i32
      %scan3A_46 = arith.constant 0 : i32
      %scan3A_47 = arith.constant 25 : i32
      %scan3A_48 = arith.addi %scan3A_46, %scan3A_47 : i32
      %scan3A_49 = arith.constant 1 : i32
      %scan3A_50 = scf.for %scan3A_60 = %scan3A_46 to %scan3A_48 step %scan3A_49 iter_args(%scan3A_61 = %scan3A_45) -> (i32)  : i32 {
        %mul3A_62 = arith.constant 80 : i32
        %mul3A_63 = arith.muli %scan3A_60, %mul3A_62 : i32
        %dma_start3A = arith.constant 0 : i32
        %dma_start3A_64 = arith.constant 0 : i32
        %dma_start3A_65 = tpu.memref_slice %arg14[%mul3A_63, %dma_start3A_64] : memref<2000x4xf32, #tpu.memory_space<vmem>> -> memref<80x4xf32, #tpu.memory_space<vmem>>
        %dma_start3A_66 = arith.constant 0 : i32
        %dma_start3A_67 = tpu.memref_slice %arg9[%dma_start3A, %scan3A_60, %dma_start3A_66] : memref<1x25x80xi32, #tpu.memory_space<vmem>> -> memref<1x1x80xi32, #tpu.memory_space<vmem>>
        %dma_start3A_68 = tpu.memref_squeeze %dma_start3A_67 : memref<1x1x80xi32, #tpu.memory_space<vmem>> -> memref<80xi32, #tpu.memory_space<vmem>>
        %dma_start3A_69 = arith.constant 0 : i32
        %dma_start3A_70 = arith.constant 0 : i32
        %dma_start3A_71 = tpu.memref_slice %arg15[%dma_start3A_69, %dma_start3A_70] : memref<50048x4xf32, #tpu.memory_space<vmem_shared>> -> memref<50048x4xf32, #tpu.memory_space<vmem_shared>>
        tpu.enqueue_indirect_dma source(%dma_start3A_65 : memref<80x4xf32, #tpu.memory_space<vmem>>) target(%dma_start3A_71 : memref<50048x4xf32, #tpu.memory_space<vmem_shared>>) offsets(%dma_start3A_68 : memref<80xi32, #tpu.memory_space<vmem>>) semaphore(%arg16 : memref<!tpu.dma_semaphore, #tpu.memory_space<semaphore_mem>>) {add = true}
        %scan3A_72 = arith.constant 0 : i32
        scf.yield %scan3A_72 : i32
      }
      %scan3A_51 = arith.constant 25 : i32
      %scan3A_52 = arith.constant 0 : i32
      %scan3A_53 = arith.constant 0 : i32
      %scan3A_54 = arith.constant 25 : i32
      %scan3A_55 = arith.addi %scan3A_53, %scan3A_54 : i32
      %scan3A_56 = arith.constant 1 : i32
      %scan3A_57 = scf.for %scan3A_60 = %scan3A_53 to %scan3A_55 step %scan3A_56 iter_args(%scan3A_61 = %scan3A_52) -> (i32)  : i32 {
        %mul3A_62 = arith.constant 80 : i32
        %mul3A_63 = arith.muli %scan3A_60, %mul3A_62 : i32
        %dma_wait3A = arith.constant 0 : i32
        %dma_wait3A_64 = arith.constant 0 : i32
        %dma_wait3A_65 = tpu.memref_slice %arg14[%mul3A_63, %dma_wait3A_64] : memref<2000x4xf32, #tpu.memory_space<vmem>> -> memref<80x4xf32, #tpu.memory_space<vmem>>
        %dma_wait3A_66 = arith.constant 0 : i32
        %dma_wait3A_67 = tpu.memref_slice %arg9[%dma_wait3A, %scan3A_60, %dma_wait3A_66] : memref<1x25x80xi32, #tpu.memory_space<vmem>> -> memref<1x1x80xi32, #tpu.memory_space<vmem>>
        %dma_wait3A_68 = tpu.memref_squeeze %dma_wait3A_67 : memref<1x1x80xi32, #tpu.memory_space<vmem>> -> memref<80xi32, #tpu.memory_space<vmem>>
        %dma_wait3A_69 = arith.constant 0 : i32
        %dma_wait3A_70 = arith.constant 0 : i32
        %dma_wait3A_71 = tpu.memref_slice %arg15[%dma_wait3A_69, %dma_wait3A_70] : memref<50048x4xf32, #tpu.memory_space<vmem_shared>> -> memref<50048x4xf32, #tpu.memory_space<vmem_shared>>
        tpu.wait_indirect_dma semaphore(%arg16 : memref<!tpu.dma_semaphore, #tpu.memory_space<semaphore_mem>>) src(%dma_wait3A_65 : memref<80x4xf32, #tpu.memory_space<vmem>>) dst(%dma_wait3A_71 : memref<50048x4xf32, #tpu.memory_space<vmem_shared>>)
        %scan3A_72 = arith.constant 0 : i32
        scf.yield %scan3A_72 : i32
      }
      %scan3A_58 = arith.constant 25 : i32
      %scan3A_59 = arith.constant 0 : i32
      scf.yield %scan3A_59 : i32
    }
    %scan3A_24 = arith.constant 25 : i32
    %barrier3A_25 = arith.constant 0 : index
    tpu.barrier barrier_id(%barrier3A_25)
    %mul3A_26 = arith.constant 3128 : i32
    %mul3A_27 = arith.muli %arg1, %mul3A_26 : i32
    "tpu.region"() ({
      %run_scoped3A = tpu.sem_alloc : memref<!tpu.dma_semaphore, #tpu.memory_space<semaphore_mem>>
      %dma_start3A = arith.constant 0 : i32
      %dma_start3A_28 = tpu.memref_slice %arg8[%arg0, %mul3A_27, %dma_start3A] : memref<2x50048x4xf32, #tpu.memory_space<hbm>> -> memref<1x3128x4xf32, #tpu.memory_space<hbm>>
      %dma_start3A_29 = tpu.memref_squeeze %dma_start3A_28 : memref<1x3128x4xf32, #tpu.memory_space<hbm>> -> memref<3128x4xf32, #tpu.memory_space<hbm>>
      %dma_start3A_30 = arith.constant 0 : i32
      %dma_start3A_31 = tpu.memref_slice %arg15[%mul3A_27, %dma_start3A_30] : memref<50048x4xf32, #tpu.memory_space<vmem_shared>> -> memref<3128x4xf32, #tpu.memory_space<vmem_shared>>
      tpu.enqueue_dma source(%dma_start3A_31 : memref<3128x4xf32, #tpu.memory_space<vmem_shared>>) target(%dma_start3A_29 : memref<3128x4xf32, #tpu.memory_space<hbm>>) target_semaphore(%run_scoped3A : memref<!tpu.dma_semaphore, #tpu.memory_space<semaphore_mem>>)
      %dma_wait3A = arith.constant 0 : i32
      %dma_wait3A_32 = tpu.memref_slice %arg8[%arg0, %mul3A_27, %dma_wait3A] : memref<2x50048x4xf32, #tpu.memory_space<hbm>> -> memref<1x3128x4xf32, #tpu.memory_space<hbm>>
      %dma_wait3A_33 = tpu.memref_squeeze %dma_wait3A_32 : memref<1x3128x4xf32, #tpu.memory_space<hbm>> -> memref<3128x4xf32, #tpu.memory_space<hbm>>
      %dma_wait3A_34 = arith.constant 0 : i32
      %dma_wait3A_35 = tpu.memref_slice %arg15[%mul3A_27, %dma_wait3A_34] : memref<50048x4xf32, #tpu.memory_space<vmem_shared>> -> memref<3128x4xf32, #tpu.memory_space<vmem_shared>>
      tpu.wait_dma2 semaphore(%run_scoped3A : memref<!tpu.dma_semaphore, #tpu.memory_space<semaphore_mem>>) src(%dma_wait3A_35 : memref<3128x4xf32, #tpu.memory_space<vmem_shared>>) dst(%dma_wait3A_33 : memref<3128x4xf32, #tpu.memory_space<hbm>>)
      tpu.yield
    }) : () -> ()
    return
  }
}

#map = affine_map<(d0, d1) -> (0, 0)>
#map1 = affine_map<(d0, d1) -> (0, 0, 0)>
#map2 = affine_map<(d0, d1) -> (0)>
module attributes {stable_mosaic.version = 14 : i64} {
  func.func @edge_features(%arg0: i32, %arg1: i32, %arg2: memref<50000x4xf32, #tpu.memory_space<hbm>>, %arg3: memref<800x25x80xi32, #tpu.memory_space<hbm>>, %arg4: memref<800x25x80xi32, #tpu.memory_space<hbm>>, %arg5: memref<1600000xf32, #tpu.memory_space<hbm>>, %arg6: memref<1600000xf32, #tpu.memory_space<hbm>>, %arg7: memref<1600000xf32, #tpu.memory_space<hbm>>, %arg8: memref<1600000xf32, #tpu.memory_space<hbm>>, %arg9: memref<1600000xf32, #tpu.memory_space<hbm>>, %arg10: memref<1x25x80xi32, #tpu.memory_space<vmem>>, %arg11: memref<1x25x80xi32, #tpu.memory_space<vmem>>, %arg12: memref<2000x4xf32, #tpu.memory_space<vmem>>, %arg13: memref<2000x4xf32, #tpu.memory_space<vmem>>, %arg14: memref<2000xf32, #tpu.memory_space<vmem>>, %arg15: memref<2000xf32, #tpu.memory_space<vmem>>, %arg16: memref<2000xf32, #tpu.memory_space<vmem>>, %arg17: memref<2000xf32, #tpu.memory_space<vmem>>, %arg18: memref<2000xf32, #tpu.memory_space<vmem>>, %arg19: memref<!tpu.dma_semaphore, #tpu.memory_space<semaphore_mem>>) attributes {dimension_semantics = [#tpu.dimension_semantics<core_parallel>, #tpu.dimension_semantics<subcore_parallel>], iteration_bounds = array<i64: 2, 16>, scalar_prefetch = 0 : i64, scratch_operands = 10 : i64, tpu.core_type = #tpu.core_type<sc_vector_subcore>, window_params = [{transform_indices = #map}, {transform_indices = #map1}, {transform_indices = #map1}, {transform_indices = #map2}, {transform_indices = #map2}, {transform_indices = #map2}, {transform_indices = #map2}, {transform_indices = #map2}]} {
    %mul3A = arith.constant 2 : i32
    %mul3A_0 = arith.muli %arg1, %mul3A : i32
    %add3A = arith.addi %mul3A_0, %arg0 : i32
    %broadcast_in_dim3A = arith.constant 0 : i32
    %broadcast_in_dim3A_1 = vector.broadcast %broadcast_in_dim3A : i32 to vector<16xi32>
    %broadcast_in_dim3A_2 = arith.constant 1 : i32
    %broadcast_in_dim3A_3 = vector.broadcast %broadcast_in_dim3A_2 : i32 to vector<16xi32>
    %broadcast_in_dim3A_4 = arith.constant 2 : i32
    %broadcast_in_dim3A_5 = vector.broadcast %broadcast_in_dim3A_4 : i32 to vector<16xi32>
    %scan3A = arith.constant 0 : i32
    %scan3A_6 = arith.constant 0 : i32
    %scan3A_7 = arith.constant 25 : i32
    %scan3A_8 = arith.addi %scan3A_6, %scan3A_7 : i32
    %scan3A_9 = arith.constant 1 : i32
    %scan3A_10 = scf.for %scan3A_12 = %scan3A_6 to %scan3A_8 step %scan3A_9 iter_args(%scan3A_13 = %scan3A) -> (i32)  : i32 {
      %mul3A_14 = arith.constant 25 : i32
      %mul3A_15 = arith.muli %add3A, %mul3A_14 : i32
      %add3A_16 = arith.addi %mul3A_15, %scan3A_12 : i32
      "tpu.region"() ({
        %run_scoped3A = tpu.sem_alloc : memref<!tpu.dma_semaphore, #tpu.memory_space<semaphore_mem>>
        %dma_start3A = arith.constant 0 : i32
        %dma_start3A_44 = arith.constant 0 : i32
        %dma_start3A_45 = tpu.memref_slice %arg3[%add3A_16, %dma_start3A, %dma_start3A_44] : memref<800x25x80xi32, #tpu.memory_space<hbm>> -> memref<1x25x80xi32, #tpu.memory_space<hbm>>
        %dma_start3A_46 = arith.constant 0 : i32
        %dma_start3A_47 = arith.constant 0 : i32
        %dma_start3A_48 = tpu.memref_slice %arg3[%add3A_16, %dma_start3A_46, %dma_start3A_47] : memref<800x25x80xi32, #tpu.memory_space<hbm>> -> memref<1x25x80xi32, #tpu.memory_space<hbm>>
        tpu.enqueue_dma source(%dma_start3A_48 : memref<1x25x80xi32, #tpu.memory_space<hbm>>) target(%arg10 : memref<1x25x80xi32, #tpu.memory_space<vmem>>) target_semaphore(%run_scoped3A : memref<!tpu.dma_semaphore, #tpu.memory_space<semaphore_mem>>)
        %dma_wait3A = arith.constant 0 : i32
        %dma_wait3A_49 = arith.constant 0 : i32
        %dma_wait3A_50 = tpu.memref_slice %arg3[%add3A_16, %dma_wait3A, %dma_wait3A_49] : memref<800x25x80xi32, #tpu.memory_space<hbm>> -> memref<1x25x80xi32, #tpu.memory_space<hbm>>
        %dma_wait3A_51 = arith.constant 0 : i32
        %dma_wait3A_52 = arith.constant 0 : i32
        %dma_wait3A_53 = tpu.memref_slice %arg3[%add3A_16, %dma_wait3A_51, %dma_wait3A_52] : memref<800x25x80xi32, #tpu.memory_space<hbm>> -> memref<1x25x80xi32, #tpu.memory_space<hbm>>
        tpu.wait_dma2 semaphore(%run_scoped3A : memref<!tpu.dma_semaphore, #tpu.memory_space<semaphore_mem>>) src(%dma_wait3A_53 : memref<1x25x80xi32, #tpu.memory_space<hbm>>) dst(%arg10 : memref<1x25x80xi32, #tpu.memory_space<vmem>>)
        tpu.yield
      }) : () -> ()
      "tpu.region"() ({
        %run_scoped3A = tpu.sem_alloc : memref<!tpu.dma_semaphore, #tpu.memory_space<semaphore_mem>>
        %dma_start3A = arith.constant 0 : i32
        %dma_start3A_44 = arith.constant 0 : i32
        %dma_start3A_45 = tpu.memref_slice %arg4[%add3A_16, %dma_start3A, %dma_start3A_44] : memref<800x25x80xi32, #tpu.memory_space<hbm>> -> memref<1x25x80xi32, #tpu.memory_space<hbm>>
        %dma_start3A_46 = arith.constant 0 : i32
        %dma_start3A_47 = arith.constant 0 : i32
        %dma_start3A_48 = tpu.memref_slice %arg4[%add3A_16, %dma_start3A_46, %dma_start3A_47] : memref<800x25x80xi32, #tpu.memory_space<hbm>> -> memref<1x25x80xi32, #tpu.memory_space<hbm>>
        tpu.enqueue_dma source(%dma_start3A_48 : memref<1x25x80xi32, #tpu.memory_space<hbm>>) target(%arg11 : memref<1x25x80xi32, #tpu.memory_space<vmem>>) target_semaphore(%run_scoped3A : memref<!tpu.dma_semaphore, #tpu.memory_space<semaphore_mem>>)
        %dma_wait3A = arith.constant 0 : i32
        %dma_wait3A_49 = arith.constant 0 : i32
        %dma_wait3A_50 = tpu.memref_slice %arg4[%add3A_16, %dma_wait3A, %dma_wait3A_49] : memref<800x25x80xi32, #tpu.memory_space<hbm>> -> memref<1x25x80xi32, #tpu.memory_space<hbm>>
        %dma_wait3A_51 = arith.constant 0 : i32
        %dma_wait3A_52 = arith.constant 0 : i32
        %dma_wait3A_53 = tpu.memref_slice %arg4[%add3A_16, %dma_wait3A_51, %dma_wait3A_52] : memref<800x25x80xi32, #tpu.memory_space<hbm>> -> memref<1x25x80xi32, #tpu.memory_space<hbm>>
        tpu.wait_dma2 semaphore(%run_scoped3A : memref<!tpu.dma_semaphore, #tpu.memory_space<semaphore_mem>>) src(%dma_wait3A_53 : memref<1x25x80xi32, #tpu.memory_space<hbm>>) dst(%arg11 : memref<1x25x80xi32, #tpu.memory_space<vmem>>)
        tpu.yield
      }) : () -> ()
      %scan3A_17 = arith.constant 0 : i32
      %scan3A_18 = arith.constant 0 : i32
      %scan3A_19 = arith.constant 25 : i32
      %scan3A_20 = arith.addi %scan3A_18, %scan3A_19 : i32
      %scan3A_21 = arith.constant 1 : i32
      %scan3A_22 = scf.for %scan3A_44 = %scan3A_18 to %scan3A_20 step %scan3A_21 iter_args(%scan3A_45 = %scan3A_17) -> (i32)  : i32 {
        %mul3A_46 = arith.constant 80 : i32
        %mul3A_47 = arith.muli %scan3A_44, %mul3A_46 : i32
        %dma_start3A = arith.constant 0 : i32
        %dma_start3A_48 = arith.constant 0 : i32
        %dma_start3A_49 = tpu.memref_slice %arg12[%mul3A_47, %dma_start3A_48] : memref<2000x4xf32, #tpu.memory_space<vmem>> -> memref<80x4xf32, #tpu.memory_space<vmem>>
        %dma_start3A_50 = arith.constant 0 : i32
        %dma_start3A_51 = tpu.memref_slice %arg10[%dma_start3A, %scan3A_44, %dma_start3A_50] : memref<1x25x80xi32, #tpu.memory_space<vmem>> -> memref<1x1x80xi32, #tpu.memory_space<vmem>>
        %dma_start3A_52 = tpu.memref_squeeze %dma_start3A_51 : memref<1x1x80xi32, #tpu.memory_space<vmem>> -> memref<80xi32, #tpu.memory_space<vmem>>
        %dma_start3A_53 = arith.constant 0 : i32
        %dma_start3A_54 = arith.constant 0 : i32
        %dma_start3A_55 = tpu.memref_slice %arg2[%dma_start3A_53, %dma_start3A_54] : memref<50000x4xf32, #tpu.memory_space<hbm>> -> memref<50000x4xf32, #tpu.memory_space<hbm>>
        tpu.enqueue_indirect_dma source(%dma_start3A_55 : memref<50000x4xf32, #tpu.memory_space<hbm>>) target(%dma_start3A_49 : memref<80x4xf32, #tpu.memory_space<vmem>>) offsets(%dma_start3A_52 : memref<80xi32, #tpu.memory_space<vmem>>) semaphore(%arg19 : memref<!tpu.dma_semaphore, #tpu.memory_space<semaphore_mem>>)
        %mul3A_56 = arith.constant 80 : i32
        %mul3A_57 = arith.muli %scan3A_44, %mul3A_56 : i32
        %dma_start3A_58 = arith.constant 0 : i32
        %dma_start3A_59 = arith.constant 0 : i32
        %dma_start3A_60 = tpu.memref_slice %arg13[%mul3A_57, %dma_start3A_59] : memref<2000x4xf32, #tpu.memory_space<vmem>> -> memref<80x4xf32, #tpu.memory_space<vmem>>
        %dma_start3A_61 = arith.constant 0 : i32
        %dma_start3A_62 = tpu.memref_slice %arg11[%dma_start3A_58, %scan3A_44, %dma_start3A_61] : memref<1x25x80xi32, #tpu.memory_space<vmem>> -> memref<1x1x80xi32, #tpu.memory_space<vmem>>
        %dma_start3A_63 = tpu.memref_squeeze %dma_start3A_62 : memref<1x1x80xi32, #tpu.memory_space<vmem>> -> memref<80xi32, #tpu.memory_space<vmem>>
        %dma_start3A_64 = arith.constant 0 : i32
        %dma_start3A_65 = arith.constant 0 : i32
        %dma_start3A_66 = tpu.memref_slice %arg2[%dma_start3A_64, %dma_start3A_65] : memref<50000x4xf32, #tpu.memory_space<hbm>> -> memref<50000x4xf32, #tpu.memory_space<hbm>>
        tpu.enqueue_indirect_dma source(%dma_start3A_66 : memref<50000x4xf32, #tpu.memory_space<hbm>>) target(%dma_start3A_60 : memref<80x4xf32, #tpu.memory_space<vmem>>) offsets(%dma_start3A_63 : memref<80xi32, #tpu.memory_space<vmem>>) semaphore(%arg19 : memref<!tpu.dma_semaphore, #tpu.memory_space<semaphore_mem>>)
        %scan3A_67 = arith.constant 0 : i32
        scf.yield %scan3A_67 : i32
      }
      %scan3A_23 = arith.constant 25 : i32
      %scan3A_24 = arith.constant 0 : i32
      %scan3A_25 = arith.constant 0 : i32
      %scan3A_26 = arith.constant 25 : i32
      %scan3A_27 = arith.addi %scan3A_25, %scan3A_26 : i32
      %scan3A_28 = arith.constant 1 : i32
      %scan3A_29 = scf.for %scan3A_44 = %scan3A_25 to %scan3A_27 step %scan3A_28 iter_args(%scan3A_45 = %scan3A_24) -> (i32)  : i32 {
        %mul3A_46 = arith.constant 80 : i32
        %mul3A_47 = arith.muli %scan3A_44, %mul3A_46 : i32
        %dma_wait3A = arith.constant 0 : i32
        %dma_wait3A_48 = arith.constant 0 : i32
        %dma_wait3A_49 = tpu.memref_slice %arg12[%mul3A_47, %dma_wait3A_48] : memref<2000x4xf32, #tpu.memory_space<vmem>> -> memref<80x4xf32, #tpu.memory_space<vmem>>
        %dma_wait3A_50 = arith.constant 0 : i32
        %dma_wait3A_51 = tpu.memref_slice %arg10[%dma_wait3A, %scan3A_44, %dma_wait3A_50] : memref<1x25x80xi32, #tpu.memory_space<vmem>> -> memref<1x1x80xi32, #tpu.memory_space<vmem>>
        %dma_wait3A_52 = tpu.memref_squeeze %dma_wait3A_51 : memref<1x1x80xi32, #tpu.memory_space<vmem>> -> memref<80xi32, #tpu.memory_space<vmem>>
        %dma_wait3A_53 = arith.constant 0 : i32
        %dma_wait3A_54 = arith.constant 0 : i32
        %dma_wait3A_55 = tpu.memref_slice %arg2[%dma_wait3A_53, %dma_wait3A_54] : memref<50000x4xf32, #tpu.memory_space<hbm>> -> memref<50000x4xf32, #tpu.memory_space<hbm>>
        tpu.wait_indirect_dma semaphore(%arg19 : memref<!tpu.dma_semaphore, #tpu.memory_space<semaphore_mem>>) src(%dma_wait3A_55 : memref<50000x4xf32, #tpu.memory_space<hbm>>) dst(%dma_wait3A_49 : memref<80x4xf32, #tpu.memory_space<vmem>>)
        %mul3A_56 = arith.constant 80 : i32
        %mul3A_57 = arith.muli %scan3A_44, %mul3A_56 : i32
        %dma_wait3A_58 = arith.constant 0 : i32
        %dma_wait3A_59 = arith.constant 0 : i32
        %dma_wait3A_60 = tpu.memref_slice %arg13[%mul3A_57, %dma_wait3A_59] : memref<2000x4xf32, #tpu.memory_space<vmem>> -> memref<80x4xf32, #tpu.memory_space<vmem>>
        %dma_wait3A_61 = arith.constant 0 : i32
        %dma_wait3A_62 = tpu.memref_slice %arg11[%dma_wait3A_58, %scan3A_44, %dma_wait3A_61] : memref<1x25x80xi32, #tpu.memory_space<vmem>> -> memref<1x1x80xi32, #tpu.memory_space<vmem>>
        %dma_wait3A_63 = tpu.memref_squeeze %dma_wait3A_62 : memref<1x1x80xi32, #tpu.memory_space<vmem>> -> memref<80xi32, #tpu.memory_space<vmem>>
        %dma_wait3A_64 = arith.constant 0 : i32
        %dma_wait3A_65 = arith.constant 0 : i32
        %dma_wait3A_66 = tpu.memref_slice %arg2[%dma_wait3A_64, %dma_wait3A_65] : memref<50000x4xf32, #tpu.memory_space<hbm>> -> memref<50000x4xf32, #tpu.memory_space<hbm>>
        tpu.wait_indirect_dma semaphore(%arg19 : memref<!tpu.dma_semaphore, #tpu.memory_space<semaphore_mem>>) src(%dma_wait3A_66 : memref<50000x4xf32, #tpu.memory_space<hbm>>) dst(%dma_wait3A_60 : memref<80x4xf32, #tpu.memory_space<vmem>>)
        %scan3A_67 = arith.constant 0 : i32
        scf.yield %scan3A_67 : i32
      }
      %scan3A_30 = arith.constant 25 : i32
      %scan3A_31 = arith.constant 0 : i32
      %scan3A_32 = arith.constant 0 : i32
      %scan3A_33 = arith.constant 125 : i32
      %scan3A_34 = arith.addi %scan3A_32, %scan3A_33 : i32
      %scan3A_35 = arith.constant 1 : i32
      %scan3A_36 = scf.for %scan3A_44 = %scan3A_32 to %scan3A_34 step %scan3A_35 iter_args(%scan3A_45 = %scan3A_31) -> (i32)  : i32 {
        %mul3A_46 = arith.constant 16 : i32
        %mul3A_47 = arith.muli %scan3A_44, %mul3A_46 : i32
        %iota3A = tpu.iota {dimensions = array<i32: 0>} : vector<16xi32>
        %add3A_48 = vector.broadcast %mul3A_47 : i32 to vector<16xi32>
        %add3A_49 = arith.addi %add3A_48, %iota3A : vector<16xi32>
        %gather3A = tpu.vector_load_idx %arg12[%add3A_49, %broadcast_in_dim3A_1] : memref<2000x4xf32, #tpu.memory_space<vmem>>[vector<16xi32>, vector<16xi32>], vector<16xf32>,
        %gather3A_50 = tpu.vector_load_idx %arg12[%add3A_49, %broadcast_in_dim3A_3] : memref<2000x4xf32, #tpu.memory_space<vmem>>[vector<16xi32>, vector<16xi32>], vector<16xf32>,
        %gather3A_51 = tpu.vector_load_idx %arg12[%add3A_49, %broadcast_in_dim3A_5] : memref<2000x4xf32, #tpu.memory_space<vmem>>[vector<16xi32>, vector<16xi32>], vector<16xf32>,
        %gather3A_52 = tpu.vector_load_idx %arg13[%add3A_49, %broadcast_in_dim3A_1] : memref<2000x4xf32, #tpu.memory_space<vmem>>[vector<16xi32>, vector<16xi32>], vector<16xf32>,
        %gather3A_53 = tpu.vector_load_idx %arg13[%add3A_49, %broadcast_in_dim3A_3] : memref<2000x4xf32, #tpu.memory_space<vmem>>[vector<16xi32>, vector<16xi32>], vector<16xf32>,
        %gather3A_54 = tpu.vector_load_idx %arg13[%add3A_49, %broadcast_in_dim3A_5] : memref<2000x4xf32, #tpu.memory_space<vmem>>[vector<16xi32>, vector<16xi32>], vector<16xf32>,
        %sub3A = arith.subf %gather3A, %gather3A_52 : vector<16xf32>
        %sub3A_55 = arith.subf %gather3A_50, %gather3A_53 : vector<16xf32>
        %sub3A_56 = arith.subf %gather3A_51, %gather3A_54 : vector<16xf32>
        %mul3A_57 = arith.mulf %sub3A, %sub3A : vector<16xf32>
        %mul3A_58 = arith.mulf %sub3A_55, %sub3A_55 : vector<16xf32>
        %add3A_59 = arith.addf %mul3A_57, %mul3A_58 : vector<16xf32>
        %mul3A_60 = arith.mulf %sub3A_56, %sub3A_56 : vector<16xf32>
        %add3A_61 = arith.addf %add3A_59, %mul3A_60 : vector<16xf32>
        %swap3A = arith.index_cast %mul3A_47 : i32 to index
        %swap3A_62 = tpu.vector_load %arg14[%swap3A] {strides = array<i32>} : memref<2000xf32, #tpu.memory_space<vmem>>, vector<16xf32>,
        tpu.vector_store %arg14[%swap3A], %add3A_61 {strides = array<i32>} : memref<2000xf32, #tpu.memory_space<vmem>>, vector<16xf32>,
        %mul3A_63 = arith.mulf %gather3A, %gather3A_52 : vector<16xf32>
        %mul3A_64 = arith.mulf %gather3A_50, %gather3A_53 : vector<16xf32>
        %add3A_65 = arith.addf %mul3A_63, %mul3A_64 : vector<16xf32>
        %mul3A_66 = arith.mulf %gather3A_51, %gather3A_54 : vector<16xf32>
        %add3A_67 = arith.addf %add3A_65, %mul3A_66 : vector<16xf32>
        %swap3A_68 = arith.index_cast %mul3A_47 : i32 to index
        %swap3A_69 = tpu.vector_load %arg15[%swap3A_68] {strides = array<i32>} : memref<2000xf32, #tpu.memory_space<vmem>>, vector<16xf32>,
        tpu.vector_store %arg15[%swap3A_68], %add3A_67 {strides = array<i32>} : memref<2000xf32, #tpu.memory_space<vmem>>, vector<16xf32>,
        %swap3A_70 = arith.index_cast %mul3A_47 : i32 to index
        %swap3A_71 = tpu.vector_load %arg16[%swap3A_70] {strides = array<i32>} : memref<2000xf32, #tpu.memory_space<vmem>>, vector<16xf32>,
        tpu.vector_store %arg16[%swap3A_70], %sub3A {strides = array<i32>} : memref<2000xf32, #tpu.memory_space<vmem>>, vector<16xf32>,
        %swap3A_72 = arith.index_cast %mul3A_47 : i32 to index
        %swap3A_73 = tpu.vector_load %arg17[%swap3A_72] {strides = array<i32>} : memref<2000xf32, #tpu.memory_space<vmem>>, vector<16xf32>,
        tpu.vector_store %arg17[%swap3A_72], %sub3A_55 {strides = array<i32>} : memref<2000xf32, #tpu.memory_space<vmem>>, vector<16xf32>,
        %swap3A_74 = arith.index_cast %mul3A_47 : i32 to index
        %swap3A_75 = tpu.vector_load %arg18[%swap3A_74] {strides = array<i32>} : memref<2000xf32, #tpu.memory_space<vmem>>, vector<16xf32>,
        tpu.vector_store %arg18[%swap3A_74], %sub3A_56 {strides = array<i32>} : memref<2000xf32, #tpu.memory_space<vmem>>, vector<16xf32>,
        %scan3A_76 = arith.constant 0 : i32
        scf.yield %scan3A_76 : i32
      }
      %scan3A_37 = arith.constant 125 : i32
      %mul3A_38 = arith.constant 50000 : i32
      %mul3A_39 = arith.muli %add3A, %mul3A_38 : i32
      %mul3A_40 = arith.constant 2000 : i32
      %mul3A_41 = arith.muli %scan3A_12, %mul3A_40 : i32
      %add3A_42 = arith.addi %mul3A_39, %mul3A_41 : i32
      "tpu.region"() ({
        %run_scoped3A = tpu.sem_alloc : memref<!tpu.dma_semaphore, #tpu.memory_space<semaphore_mem>>
        %dma_start3A = tpu.memref_slice %arg5[%add3A_42] : memref<1600000xf32, #tpu.memory_space<hbm>> -> memref<2000xf32, #tpu.memory_space<hbm>>
        %dma_start3A_44 = tpu.memref_slice %arg5[%add3A_42] : memref<1600000xf32, #tpu.memory_space<hbm>> -> memref<2000xf32, #tpu.memory_space<hbm>>
        tpu.enqueue_dma source(%arg14 : memref<2000xf32, #tpu.memory_space<vmem>>) target(%dma_start3A_44 : memref<2000xf32, #tpu.memory_space<hbm>>) target_semaphore(%run_scoped3A : memref<!tpu.dma_semaphore, #tpu.memory_space<semaphore_mem>>)
        %dma_wait3A = tpu.memref_slice %arg5[%add3A_42] : memref<1600000xf32, #tpu.memory_space<hbm>> -> memref<2000xf32, #tpu.memory_space<hbm>>
        %dma_wait3A_45 = tpu.memref_slice %arg5[%add3A_42] : memref<1600000xf32, #tpu.memory_space<hbm>> -> memref<2000xf32, #tpu.memory_space<hbm>>
        tpu.wait_dma2 semaphore(%run_scoped3A : memref<!tpu.dma_semaphore, #tpu.memory_space<semaphore_mem>>) src(%arg14 : memref<2000xf32, #tpu.memory_space<vmem>>) dst(%dma_wait3A_45 : memref<2000xf32, #tpu.memory_space<hbm>>)
        tpu.yield
      }) : () -> ()
      "tpu.region"() ({
        %run_scoped3A = tpu.sem_alloc : memref<!tpu.dma_semaphore, #tpu.memory_space<semaphore_mem>>
        %dma_start3A = tpu.memref_slice %arg6[%add3A_42] : memref<1600000xf32, #tpu.memory_space<hbm>> -> memref<2000xf32, #tpu.memory_space<hbm>>
        %dma_start3A_44 = tpu.memref_slice %arg6[%add3A_42] : memref<1600000xf32, #tpu.memory_space<hbm>> -> memref<2000xf32, #tpu.memory_space<hbm>>
        tpu.enqueue_dma source(%arg15 : memref<2000xf32, #tpu.memory_space<vmem>>) target(%dma_start3A_44 : memref<2000xf32, #tpu.memory_space<hbm>>) target_semaphore(%run_scoped3A : memref<!tpu.dma_semaphore, #tpu.memory_space<semaphore_mem>>)
        %dma_wait3A = tpu.memref_slice %arg6[%add3A_42] : memref<1600000xf32, #tpu.memory_space<hbm>> -> memref<2000xf32, #tpu.memory_space<hbm>>
        %dma_wait3A_45 = tpu.memref_slice %arg6[%add3A_42] : memref<1600000xf32, #tpu.memory_space<hbm>> -> memref<2000xf32, #tpu.memory_space<hbm>>
        tpu.wait_dma2 semaphore(%run_scoped3A : memref<!tpu.dma_semaphore, #tpu.memory_space<semaphore_mem>>) src(%arg15 : memref<2000xf32, #tpu.memory_space<vmem>>) dst(%dma_wait3A_45 : memref<2000xf32, #tpu.memory_space<hbm>>)
        tpu.yield
      }) : () -> ()
      "tpu.region"() ({
        %run_scoped3A = tpu.sem_alloc : memref<!tpu.dma_semaphore, #tpu.memory_space<semaphore_mem>>
        %dma_start3A = tpu.memref_slice %arg7[%add3A_42] : memref<1600000xf32, #tpu.memory_space<hbm>> -> memref<2000xf32, #tpu.memory_space<hbm>>
        %dma_start3A_44 = tpu.memref_slice %arg7[%add3A_42] : memref<1600000xf32, #tpu.memory_space<hbm>> -> memref<2000xf32, #tpu.memory_space<hbm>>
        tpu.enqueue_dma source(%arg16 : memref<2000xf32, #tpu.memory_space<vmem>>) target(%dma_start3A_44 : memref<2000xf32, #tpu.memory_space<hbm>>) target_semaphore(%run_scoped3A : memref<!tpu.dma_semaphore, #tpu.memory_space<semaphore_mem>>)
        %dma_wait3A = tpu.memref_slice %arg7[%add3A_42] : memref<1600000xf32, #tpu.memory_space<hbm>> -> memref<2000xf32, #tpu.memory_space<hbm>>
        %dma_wait3A_45 = tpu.memref_slice %arg7[%add3A_42] : memref<1600000xf32, #tpu.memory_space<hbm>> -> memref<2000xf32, #tpu.memory_space<hbm>>
        tpu.wait_dma2 semaphore(%run_scoped3A : memref<!tpu.dma_semaphore, #tpu.memory_space<semaphore_mem>>) src(%arg16 : memref<2000xf32, #tpu.memory_space<vmem>>) dst(%dma_wait3A_45 : memref<2000xf32, #tpu.memory_space<hbm>>)
        tpu.yield
      }) : () -> ()
      "tpu.region"() ({
        %run_scoped3A = tpu.sem_alloc : memref<!tpu.dma_semaphore, #tpu.memory_space<semaphore_mem>>
        %dma_start3A = tpu.memref_slice %arg8[%add3A_42] : memref<1600000xf32, #tpu.memory_space<hbm>> -> memref<2000xf32, #tpu.memory_space<hbm>>
        %dma_start3A_44 = tpu.memref_slice %arg8[%add3A_42] : memref<1600000xf32, #tpu.memory_space<hbm>> -> memref<2000xf32, #tpu.memory_space<hbm>>
        tpu.enqueue_dma source(%arg17 : memref<2000xf32, #tpu.memory_space<vmem>>) target(%dma_start3A_44 : memref<2000xf32, #tpu.memory_space<hbm>>) target_semaphore(%run_scoped3A : memref<!tpu.dma_semaphore, #tpu.memory_space<semaphore_mem>>)
        %dma_wait3A = tpu.memref_slice %arg8[%add3A_42] : memref<1600000xf32, #tpu.memory_space<hbm>> -> memref<2000xf32, #tpu.memory_space<hbm>>
        %dma_wait3A_45 = tpu.memref_slice %arg8[%add3A_42] : memref<1600000xf32, #tpu.memory_space<hbm>> -> memref<2000xf32, #tpu.memory_space<hbm>>
        tpu.wait_dma2 semaphore(%run_scoped3A : memref<!tpu.dma_semaphore, #tpu.memory_space<semaphore_mem>>) src(%arg17 : memref<2000xf32, #tpu.memory_space<vmem>>) dst(%dma_wait3A_45 : memref<2000xf32, #tpu.memory_space<hbm>>)
        tpu.yield
      }) : () -> ()
      "tpu.region"() ({
        %run_scoped3A = tpu.sem_alloc : memref<!tpu.dma_semaphore, #tpu.memory_space<semaphore_mem>>
        %dma_start3A = tpu.memref_slice %arg9[%add3A_42] : memref<1600000xf32, #tpu.memory_space<hbm>> -> memref<2000xf32, #tpu.memory_space<hbm>>
        %dma_start3A_44 = tpu.memref_slice %arg9[%add3A_42] : memref<1600000xf32, #tpu.memory_space<hbm>> -> memref<2000xf32, #tpu.memory_space<hbm>>
        tpu.enqueue_dma source(%arg18 : memref<2000xf32, #tpu.memory_space<vmem>>) target(%dma_start3A_44 : memref<2000xf32, #tpu.memory_space<hbm>>) target_semaphore(%run_scoped3A : memref<!tpu.dma_semaphore, #tpu.memory_space<semaphore_mem>>)
        %dma_wait3A = tpu.memref_slice %arg9[%add3A_42] : memref<1600000xf32, #tpu.memory_space<hbm>> -> memref<2000xf32, #tpu.memory_space<hbm>>
        %dma_wait3A_45 = tpu.memref_slice %arg9[%add3A_42] : memref<1600000xf32, #tpu.memory_space<hbm>> -> memref<2000xf32, #tpu.memory_space<hbm>>
        tpu.wait_dma2 semaphore(%run_scoped3A : memref<!tpu.dma_semaphore, #tpu.memory_space<semaphore_mem>>) src(%arg18 : memref<2000xf32, #tpu.memory_space<vmem>>) dst(%dma_wait3A_45 : memref<2000xf32, #tpu.memory_space<hbm>>)
        tpu.yield
      }) : () -> ()
      %scan3A_43 = arith.constant 0 : i32
      scf.yield %scan3A_43 : i32
    }
    %scan3A_11 = arith.constant 25 : i32
    return
  }
}

module attributes {stable_mosaic.version = 14 : i64} {
  func.func @_stats_kernel(%arg0: i32, %arg1: memref<1x1x32000xf32, #tpu.memory_space<vmem>>, %arg2: memref<1x1x32000xf32, #tpu.memory_space<vmem>>, %arg3: memref<8x1xf32, #tpu.memory_space<vmem>>, %arg4: memref<8x128xf32, #tpu.memory_space<vmem>>) attributes {dimension_semantics = [#tpu.dimension_semantics<arbitrary>], iteration_bounds = array<i64: 50>, scalar_prefetch = 0 : i64, scratch_operands = 1 : i64, tpu.core_type = #tpu.core_type<tc>, window_params = [{transform_indices = @transform_0, window_bounds = array<i64: 1, 1, 32000>}, {transform_indices = @transform_1, window_bounds = array<i64: 1, 1, 32000>}, {pipeline_mode = #tpu.pipeline_mode<synchronous>, transform_indices = @transform_2, window_bounds = array<i64: 8, 1>}]} {
    %get3A = arith.constant 0 : index
    %get3A_0 = arith.constant 0 : index
    %get3A_1 = arith.constant 0 : index
    %get3A_2 = vector.load %arg1[%get3A, %get3A_0, %get3A_1] : memref<1x1x32000xf32, #tpu.memory_space<vmem>>, vector<1x1x32000xf32>
    %get3A_3 = vector.shape_cast %get3A_2 : vector<1x1x32000xf32> to vector<32000xf32>
    %reshape3A = vector.shape_cast %get3A_3 : vector<32000xf32> to vector<250x128xf32>
    %sign3A = tpu.bitcast %reshape3A : vector<250x128xf32> -> vector<250x128xi32>
    %sign3A_4 = arith.constant -2147483648 : i32
    %sign3A_5 = vector.broadcast %sign3A_4 : i32 to vector<250x128xi32>
    %sign3A_6 = arith.andi %sign3A, %sign3A_5 : vector<250x128xi32>
    %sign3A_7 = arith.constant 1065353216 : i32
    %sign3A_8 = vector.broadcast %sign3A_7 : i32 to vector<250x128xi32>
    %sign3A_9 = arith.ori %sign3A_8, %sign3A_6 : vector<250x128xi32>
    %sign3A_10 = tpu.bitcast %sign3A_9 : vector<250x128xi32> -> vector<250x128xf32>
    %sign3A_11 = math.absf %reshape3A : vector<250x128xf32>
    %sign3A_12 = arith.constant 0.000000e+00 : f32
    %sign3A_13 = vector.broadcast %sign3A_12 : f32 to vector<250x128xf32>
    %sign3A_14 = arith.cmpf ogt, %sign3A_11, %sign3A_13 : vector<250x128xf32>
    %sign3A_15 = arith.select %sign3A_14, %sign3A_10, %reshape3A : vector<250x128xi1>, vector<250x128xf32>
    %abs3A = math.absf %reshape3A : vector<250x128xf32>
    %add3A = arith.constant 1.000000e+00 : f32
    %add3A_16 = vector.broadcast %add3A : f32 to vector<250x128xf32>
    %add3A_17 = arith.addf %abs3A, %add3A_16 : vector<250x128xf32>
    %log3A = math.log %add3A_17 : vector<250x128xf32>
    %mul3A = arith.mulf %sign3A_15, %log3A : vector<250x128xf32>
    %get3A_18 = arith.constant 0 : index
    %get3A_19 = arith.constant 0 : index
    %get3A_20 = arith.constant 0 : index
    %get3A_21 = vector.load %arg2[%get3A_18, %get3A_19, %get3A_20] : memref<1x1x32000xf32, #tpu.memory_space<vmem>>, vector<1x1x32000xf32>
    %get3A_22 = vector.shape_cast %get3A_21 : vector<1x1x32000xf32> to vector<32000xf32>
    %reshape3A_23 = vector.shape_cast %get3A_22 : vector<32000xf32> to vector<250x128xf32>
    %sign3A_24 = tpu.bitcast %reshape3A_23 : vector<250x128xf32> -> vector<250x128xi32>
    %sign3A_25 = arith.constant -2147483648 : i32
    %sign3A_26 = vector.broadcast %sign3A_25 : i32 to vector<250x128xi32>
    %sign3A_27 = arith.andi %sign3A_24, %sign3A_26 : vector<250x128xi32>
    %sign3A_28 = arith.constant 1065353216 : i32
    %sign3A_29 = vector.broadcast %sign3A_28 : i32 to vector<250x128xi32>
    %sign3A_30 = arith.ori %sign3A_29, %sign3A_27 : vector<250x128xi32>
    %sign3A_31 = tpu.bitcast %sign3A_30 : vector<250x128xi32> -> vector<250x128xf32>
    %sign3A_32 = math.absf %reshape3A_23 : vector<250x128xf32>
    %sign3A_33 = arith.constant 0.000000e+00 : f32
    %sign3A_34 = vector.broadcast %sign3A_33 : f32 to vector<250x128xf32>
    %sign3A_35 = arith.cmpf ogt, %sign3A_32, %sign3A_34 : vector<250x128xf32>
    %sign3A_36 = arith.select %sign3A_35, %sign3A_31, %reshape3A_23 : vector<250x128xi1>, vector<250x128xf32>
    %abs3A_37 = math.absf %reshape3A_23 : vector<250x128xf32>
    %add3A_38 = arith.constant 1.000000e+00 : f32
    %add3A_39 = vector.broadcast %add3A_38 : f32 to vector<250x128xf32>
    %add3A_40 = arith.addf %abs3A_37, %add3A_39 : vector<250x128xf32>
    %log3A_41 = math.log %add3A_40 : vector<250x128xf32>
    %mul3A_42 = arith.mulf %sign3A_36, %log3A_41 : vector<250x128xf32>
    %eq3A = arith.constant 0 : i32
    %eq3A_43 = arith.cmpi eq, %arg0, %eq3A : i32
    %convert_element_type3A = arith.extui %eq3A_43 : i1 to i32
    %cond3A = arith.constant 0 : i32
    %cond3A_44 = arith.cmpi ne, %convert_element_type3A, %cond3A : i32
    scf.if %cond3A_44 {
      %broadcast_in_dim3A = arith.constant 0.000000e+00 : f32
      %broadcast_in_dim3A_111 = vector.broadcast %broadcast_in_dim3A : f32 to vector<8x128xf32>
      %swap3A_112 = arith.constant 0 : index
      %swap3A_113 = arith.constant 0 : index
      %swap3A_114 = vector.load %arg4[%swap3A_112, %swap3A_113] : memref<8x128xf32, #tpu.memory_space<vmem>>, vector<8x128xf32>
      tpu.vector_store %arg4[%swap3A_112, %swap3A_113], %broadcast_in_dim3A_111 {strides = array<i32>} : memref<8x128xf32, #tpu.memory_space<vmem>>, vector<8x128xf32>,
    } else {
    }
    %get3A_45 = arith.constant 0 : index
    %get3A_46 = arith.constant 0 : index
    %get3A_47 = vector.load %arg4[%get3A_45, %get3A_46] : memref<8x128xf32, #tpu.memory_space<vmem>>, vector<1x128xf32>
    %get3A_48 = vector.shape_cast %get3A_47 : vector<1x128xf32> to vector<128xf32>
    %reduce_sum3A = arith.constant dense<0.000000e+00> : vector<128xf32>
    %reduce_sum3A_49 = vector.multi_reduction <add>, %mul3A, %reduce_sum3A [0] : vector<250x128xf32> to vector<128xf32>
    %add3A_50 = arith.addf %get3A_48, %reduce_sum3A_49 : vector<128xf32>
    %swap3A = arith.constant 0 : index
    %swap3A_51 = arith.constant 0 : index
    %swap3A_52 = vector.load %arg4[%swap3A, %swap3A_51] : memref<8x128xf32, #tpu.memory_space<vmem>>, vector<1x128xf32>
    %swap3A_53 = vector.shape_cast %swap3A_52 : vector<1x128xf32> to vector<128xf32>
    %swap3A_54 = vector.shape_cast %add3A_50 : vector<128xf32> to vector<1x128xf32>
    tpu.vector_store %arg4[%swap3A, %swap3A_51], %swap3A_54 {strides = array<i32>} : memref<8x128xf32, #tpu.memory_space<vmem>>, vector<1x128xf32>,
    %get3A_55 = arith.constant 1 : index
    %get3A_56 = arith.constant 0 : index
    %get3A_57 = vector.load %arg4[%get3A_55, %get3A_56] : memref<8x128xf32, #tpu.memory_space<vmem>>, vector<1x128xf32>
    %get3A_58 = vector.shape_cast %get3A_57 : vector<1x128xf32> to vector<128xf32>
    %reduce_sum3A_59 = arith.constant dense<0.000000e+00> : vector<128xf32>
    %reduce_sum3A_60 = vector.multi_reduction <add>, %mul3A_42, %reduce_sum3A_59 [0] : vector<250x128xf32> to vector<128xf32>
    %add3A_61 = arith.addf %get3A_58, %reduce_sum3A_60 : vector<128xf32>
    %swap3A_62 = arith.constant 1 : index
    %swap3A_63 = arith.constant 0 : index
    %swap3A_64 = vector.load %arg4[%swap3A_62, %swap3A_63] : memref<8x128xf32, #tpu.memory_space<vmem>>, vector<1x128xf32>
    %swap3A_65 = vector.shape_cast %swap3A_64 : vector<1x128xf32> to vector<128xf32>
    %swap3A_66 = vector.shape_cast %add3A_61 : vector<128xf32> to vector<1x128xf32>
    tpu.vector_store %arg4[%swap3A_62, %swap3A_63], %swap3A_66 {strides = array<i32>} : memref<8x128xf32, #tpu.memory_space<vmem>>, vector<1x128xf32>,
    %get3A_67 = arith.constant 2 : index
    %get3A_68 = arith.constant 0 : index
    %get3A_69 = vector.load %arg4[%get3A_67, %get3A_68] : memref<8x128xf32, #tpu.memory_space<vmem>>, vector<1x128xf32>
    %get3A_70 = vector.shape_cast %get3A_69 : vector<1x128xf32> to vector<128xf32>
    %mul3A_71 = arith.mulf %mul3A, %mul3A : vector<250x128xf32>
    %reduce_sum3A_72 = arith.constant dense<0.000000e+00> : vector<128xf32>
    %reduce_sum3A_73 = vector.multi_reduction <add>, %mul3A_71, %reduce_sum3A_72 [0] : vector<250x128xf32> to vector<128xf32>
    %add3A_74 = arith.addf %get3A_70, %reduce_sum3A_73 : vector<128xf32>
    %swap3A_75 = arith.constant 2 : index
    %swap3A_76 = arith.constant 0 : index
    %swap3A_77 = vector.load %arg4[%swap3A_75, %swap3A_76] : memref<8x128xf32, #tpu.memory_space<vmem>>, vector<1x128xf32>
    %swap3A_78 = vector.shape_cast %swap3A_77 : vector<1x128xf32> to vector<128xf32>
    %swap3A_79 = vector.shape_cast %add3A_74 : vector<128xf32> to vector<1x128xf32>
    tpu.vector_store %arg4[%swap3A_75, %swap3A_76], %swap3A_79 {strides = array<i32>} : memref<8x128xf32, #tpu.memory_space<vmem>>, vector<1x128xf32>,
    %get3A_80 = arith.constant 3 : index
    %get3A_81 = arith.constant 0 : index
    %get3A_82 = vector.load %arg4[%get3A_80, %get3A_81] : memref<8x128xf32, #tpu.memory_space<vmem>>, vector<1x128xf32>
    %get3A_83 = vector.shape_cast %get3A_82 : vector<1x128xf32> to vector<128xf32>
    %mul3A_84 = arith.mulf %mul3A_42, %mul3A_42 : vector<250x128xf32>
    %reduce_sum3A_85 = arith.constant dense<0.000000e+00> : vector<128xf32>
    %reduce_sum3A_86 = vector.multi_reduction <add>, %mul3A_84, %reduce_sum3A_85 [0] : vector<250x128xf32> to vector<128xf32>
    %add3A_87 = arith.addf %get3A_83, %reduce_sum3A_86 : vector<128xf32>
    %swap3A_88 = arith.constant 3 : index
    %swap3A_89 = arith.constant 0 : index
    %swap3A_90 = vector.load %arg4[%swap3A_88, %swap3A_89] : memref<8x128xf32, #tpu.memory_space<vmem>>, vector<1x128xf32>
    %swap3A_91 = vector.shape_cast %swap3A_90 : vector<1x128xf32> to vector<128xf32>
    %swap3A_92 = vector.shape_cast %add3A_87 : vector<128xf32> to vector<1x128xf32>
    tpu.vector_store %arg4[%swap3A_88, %swap3A_89], %swap3A_92 {strides = array<i32>} : memref<8x128xf32, #tpu.memory_space<vmem>>, vector<1x128xf32>,
    %get3A_93 = arith.constant 4 : index
    %get3A_94 = arith.constant 0 : index
    %get3A_95 = vector.load %arg4[%get3A_93, %get3A_94] : memref<8x128xf32, #tpu.memory_space<vmem>>, vector<1x128xf32>
    %get3A_96 = vector.shape_cast %get3A_95 : vector<1x128xf32> to vector<128xf32>
    %mul3A_97 = arith.mulf %mul3A, %mul3A_42 : vector<250x128xf32>
    %reduce_sum3A_98 = arith.constant dense<0.000000e+00> : vector<128xf32>
    %reduce_sum3A_99 = vector.multi_reduction <add>, %mul3A_97, %reduce_sum3A_98 [0] : vector<250x128xf32> to vector<128xf32>
    %add3A_100 = arith.addf %get3A_96, %reduce_sum3A_99 : vector<128xf32>
    %swap3A_101 = arith.constant 4 : index
    %swap3A_102 = arith.constant 0 : index
    %swap3A_103 = vector.load %arg4[%swap3A_101, %swap3A_102] : memref<8x128xf32, #tpu.memory_space<vmem>>, vector<1x128xf32>
    %swap3A_104 = vector.shape_cast %swap3A_103 : vector<1x128xf32> to vector<128xf32>
    %swap3A_105 = vector.shape_cast %add3A_100 : vector<128xf32> to vector<1x128xf32>
    tpu.vector_store %arg4[%swap3A_101, %swap3A_102], %swap3A_105 {strides = array<i32>} : memref<8x128xf32, #tpu.memory_space<vmem>>, vector<1x128xf32>,
    %eq3A_106 = arith.constant 49 : i32
    %eq3A_107 = arith.cmpi eq, %arg0, %eq3A_106 : i32
    %convert_element_type3A_108 = arith.extui %eq3A_107 : i1 to i32
    %cond3A_109 = arith.constant 0 : i32
    %cond3A_110 = arith.cmpi ne, %convert_element_type3A_108, %cond3A_109 : i32
    scf.if %cond3A_110 {
      %get3A_111 = arith.constant 0 : index
      %get3A_112 = arith.constant 0 : index
      %get3A_113 = vector.load %arg4[%get3A_111, %get3A_112] : memref<8x128xf32, #tpu.memory_space<vmem>>, vector<8x128xf32>
      %reduce_sum3A_114 = arith.constant dense<0.000000e+00> : vector<8xf32>
      %reduce_sum3A_115 = vector.multi_reduction <add>, %get3A_113, %reduce_sum3A_114 [1] : vector<8x128xf32> to vector<8xf32>
      %broadcast_in_dim3A = vector.shape_cast %reduce_sum3A_115 : vector<8xf32> to vector<8x1xf32>
      %swap3A_116 = arith.constant 0 : index
      %swap3A_117 = arith.constant 0 : index
      %swap3A_118 = vector.load %arg3[%swap3A_116, %swap3A_117] : memref<8x1xf32, #tpu.memory_space<vmem>>, vector<8x1xf32>
      tpu.vector_store %arg3[%swap3A_116, %swap3A_117], %broadcast_in_dim3A {strides = array<i32>} : memref<8x1xf32, #tpu.memory_space<vmem>>, vector<8x1xf32>,
    } else {
    }
    return
  }
  func.func @transform_0(%arg0: i32) -> (i32, i32, i32) {
    %c0_i32 = arith.constant 0 : i32
    %c0_i32_0 = arith.constant 0 : i32
    %c0_i32_1 = arith.constant 0 : i32
    return %arg0, %c0_i32, %c0_i32_0 : i32, i32, i32
  }
  func.func @transform_1(%arg0: i32) -> (i32, i32, i32) {
    %c0_i32 = arith.constant 0 : i32
    %c0_i32_0 = arith.constant 0 : i32
    %c0_i32_1 = arith.constant 0 : i32
    return %arg0, %c0_i32, %c0_i32_0 : i32, i32, i32
  }
  func.func @transform_2(%arg0: i32) -> (i32, i32) {
    %c0_i32 = arith.constant 0 : i32
    %c0_i32_0 = arith.constant 0 : i32
    %c0_i32_1 = arith.constant 0 : i32
    return %c0_i32, %c0_i32_0 : i32, i32
  }
}

module attributes {stable_mosaic.version = 14 : i64} {
  func.func @_mlp_kernel(%arg0: i32, %arg1: memref<1x1x8000xf32, #tpu.memory_space<vmem>>, %arg2: memref<1x1x8000xf32, #tpu.memory_space<vmem>>, %arg3: memref<1x32xf32, #tpu.memory_space<vmem>>, %arg4: memref<1x32xf32, #tpu.memory_space<vmem>>, %arg5: memref<1x32xf32, #tpu.memory_space<vmem>>, %arg6: memref<32x32xf32, #tpu.memory_space<vmem>>, %arg7: memref<1x32xf32, #tpu.memory_space<vmem>>, %arg8: memref<32x32xf32, #tpu.memory_space<vmem>>, %arg9: memref<1x1xf32, #tpu.memory_space<vmem>>, %arg10: memref<32x32xf32, #tpu.memory_space<vmem>>, %arg11: memref<1x32xf32, #tpu.memory_space<vmem>>, %arg12: memref<32x1xf32, #tpu.memory_space<vmem>>, %arg13: memref<8000x32xf32, #tpu.memory_space<vmem>>, %arg14: memref<8000x1xf32, #tpu.memory_space<vmem>>) attributes {dimension_semantics = [#tpu.dimension_semantics<arbitrary>], iteration_bounds = array<i64: 200>, scalar_prefetch = 0 : i64, scratch_operands = 0 : i64, tpu.core_type = #tpu.core_type<tc>, window_params = [{transform_indices = @transform_0, window_bounds = array<i64: 1, 1, 8000>}, {transform_indices = @transform_1, window_bounds = array<i64: 1, 1, 8000>}, {pipeline_mode = #tpu.pipeline_mode<synchronous>, transform_indices = @transform_2, window_bounds = array<i64: 1, 32>}, {pipeline_mode = #tpu.pipeline_mode<synchronous>, transform_indices = @transform_3, window_bounds = array<i64: 1, 32>}, {pipeline_mode = #tpu.pipeline_mode<synchronous>, transform_indices = @transform_4, window_bounds = array<i64: 1, 32>}, {pipeline_mode = #tpu.pipeline_mode<synchronous>, transform_indices = @transform_5, window_bounds = array<i64: 32, 32>}, {pipeline_mode = #tpu.pipeline_mode<synchronous>, transform_indices = @transform_6, window_bounds = array<i64: 1, 32>}, {pipeline_mode = #tpu.pipeline_mode<synchronous>, transform_indices = @transform_7, window_bounds = array<i64: 32, 32>}, {pipeline_mode = #tpu.pipeline_mode<synchronous>, transform_indices = @transform_8, window_bounds = array<i64: 1, 1>}, {pipeline_mode = #tpu.pipeline_mode<synchronous>, transform_indices = @transform_9, window_bounds = array<i64: 32, 32>}, {pipeline_mode = #tpu.pipeline_mode<synchronous>, transform_indices = @transform_10, window_bounds = array<i64: 1, 32>}, {pipeline_mode = #tpu.pipeline_mode<synchronous>, transform_indices = @transform_11, window_bounds = array<i64: 32, 1>}, {transform_indices = @transform_12, window_bounds = array<i64: 8000, 32>}, {transform_indices = @transform_13, window_bounds = array<i64: 8000, 1>}]} {
    %get3A = arith.constant 0 : index
    %get3A_0 = arith.constant 0 : index
    %get3A_1 = arith.constant 0 : index
    %get3A_2 = vector.load %arg1[%get3A, %get3A_0, %get3A_1] : memref<1x1x8000xf32, #tpu.memory_space<vmem>>, vector<1x1x8000xf32>
    %get3A_3 = vector.shape_cast %get3A_2 : vector<1x1x8000xf32> to vector<8000xf32>
    %sign3A = tpu.bitcast %get3A_3 : vector<8000xf32> -> vector<8000xi32>
    %sign3A_4 = arith.constant -2147483648 : i32
    %sign3A_5 = vector.broadcast %sign3A_4 : i32 to vector<8000xi32>
    %sign3A_6 = arith.andi %sign3A, %sign3A_5 : vector<8000xi32>
    %sign3A_7 = arith.constant 1065353216 : i32
    %sign3A_8 = vector.broadcast %sign3A_7 : i32 to vector<8000xi32>
    %sign3A_9 = arith.ori %sign3A_8, %sign3A_6 : vector<8000xi32>
    %sign3A_10 = tpu.bitcast %sign3A_9 : vector<8000xi32> -> vector<8000xf32>
    %sign3A_11 = math.absf %get3A_3 : vector<8000xf32>
    %sign3A_12 = arith.constant 0.000000e+00 : f32
    %sign3A_13 = vector.broadcast %sign3A_12 : f32 to vector<8000xf32>
    %sign3A_14 = arith.cmpf ogt, %sign3A_11, %sign3A_13 : vector<8000xf32>
    %sign3A_15 = arith.select %sign3A_14, %sign3A_10, %get3A_3 : vector<8000xi1>, vector<8000xf32>
    %abs3A = math.absf %get3A_3 : vector<8000xf32>
    %add3A = arith.constant 1.000000e+00 : f32
    %add3A_16 = vector.broadcast %add3A : f32 to vector<8000xf32>
    %add3A_17 = arith.addf %abs3A, %add3A_16 : vector<8000xf32>
    %log3A = math.log %add3A_17 : vector<8000xf32>
    %mul3A = arith.mulf %sign3A_15, %log3A : vector<8000xf32>
    %broadcast_in_dim3A = vector.shape_cast %mul3A : vector<8000xf32> to vector<8000x1xf32>
    %get3A_18 = arith.constant 0 : index
    %get3A_19 = arith.constant 0 : index
    %get3A_20 = arith.constant 0 : index
    %get3A_21 = vector.load %arg2[%get3A_18, %get3A_19, %get3A_20] : memref<1x1x8000xf32, #tpu.memory_space<vmem>>, vector<1x1x8000xf32>
    %get3A_22 = vector.shape_cast %get3A_21 : vector<1x1x8000xf32> to vector<8000xf32>
    %sign3A_23 = tpu.bitcast %get3A_22 : vector<8000xf32> -> vector<8000xi32>
    %sign3A_24 = arith.constant -2147483648 : i32
    %sign3A_25 = vector.broadcast %sign3A_24 : i32 to vector<8000xi32>
    %sign3A_26 = arith.andi %sign3A_23, %sign3A_25 : vector<8000xi32>
    %sign3A_27 = arith.constant 1065353216 : i32
    %sign3A_28 = vector.broadcast %sign3A_27 : i32 to vector<8000xi32>
    %sign3A_29 = arith.ori %sign3A_28, %sign3A_26 : vector<8000xi32>
    %sign3A_30 = tpu.bitcast %sign3A_29 : vector<8000xi32> -> vector<8000xf32>
    %sign3A_31 = math.absf %get3A_22 : vector<8000xf32>
    %sign3A_32 = arith.constant 0.000000e+00 : f32
    %sign3A_33 = vector.broadcast %sign3A_32 : f32 to vector<8000xf32>
    %sign3A_34 = arith.cmpf ogt, %sign3A_31, %sign3A_33 : vector<8000xf32>
    %sign3A_35 = arith.select %sign3A_34, %sign3A_30, %get3A_22 : vector<8000xi1>, vector<8000xf32>
    %abs3A_36 = math.absf %get3A_22 : vector<8000xf32>
    %add3A_37 = arith.constant 1.000000e+00 : f32
    %add3A_38 = vector.broadcast %add3A_37 : f32 to vector<8000xf32>
    %add3A_39 = arith.addf %abs3A_36, %add3A_38 : vector<8000xf32>
    %log3A_40 = math.log %add3A_39 : vector<8000xf32>
    %mul3A_41 = arith.mulf %sign3A_35, %log3A_40 : vector<8000xf32>
    %broadcast_in_dim3A_42 = vector.shape_cast %mul3A_41 : vector<8000xf32> to vector<8000x1xf32>
    %get3A_43 = arith.constant 0 : index
    %get3A_44 = arith.constant 0 : index
    %get3A_45 = vector.load %arg3[%get3A_43, %get3A_44] : memref<1x32xf32, #tpu.memory_space<vmem>>, vector<1x32xf32>
    %mul3A_46 = vector.broadcast %broadcast_in_dim3A : vector<8000x1xf32> to vector<8000x32xf32>
    %mul3A_47 = vector.broadcast %get3A_45 : vector<1x32xf32> to vector<8000x32xf32>
    %mul3A_48 = arith.mulf %mul3A_46, %mul3A_47 : vector<8000x32xf32>
    %get3A_49 = arith.constant 0 : index
    %get3A_50 = arith.constant 0 : index
    %get3A_51 = vector.load %arg4[%get3A_49, %get3A_50] : memref<1x32xf32, #tpu.memory_space<vmem>>, vector<1x32xf32>
    %mul3A_52 = vector.broadcast %broadcast_in_dim3A_42 : vector<8000x1xf32> to vector<8000x32xf32>
    %mul3A_53 = vector.broadcast %get3A_51 : vector<1x32xf32> to vector<8000x32xf32>
    %mul3A_54 = arith.mulf %mul3A_52, %mul3A_53 : vector<8000x32xf32>
    %add3A_55 = arith.addf %mul3A_48, %mul3A_54 : vector<8000x32xf32>
    %get3A_56 = arith.constant 0 : index
    %get3A_57 = arith.constant 0 : index
    %get3A_58 = vector.load %arg5[%get3A_56, %get3A_57] : memref<1x32xf32, #tpu.memory_space<vmem>>, vector<1x32xf32>
    %add3A_59 = vector.broadcast %get3A_58 : vector<1x32xf32> to vector<8000x32xf32>
    %add3A_60 = arith.addf %add3A_55, %add3A_59 : vector<8000x32xf32>
    %max3A = arith.constant 0.000000e+00 : f32
    %max3A_61 = vector.broadcast %max3A : f32 to vector<8000x32xf32>
    %max3A_62 = arith.maximumf %add3A_60, %max3A_61 : vector<8000x32xf32>
    %get3A_63 = arith.constant 0 : index
    %get3A_64 = arith.constant 0 : index
    %get3A_65 = vector.load %arg6[%get3A_63, %get3A_64] : memref<32x32xf32, #tpu.memory_space<vmem>>, vector<32x32xf32>
    %dot_general3A = arith.constant dense<0.000000e+00> : vector<8000x32xf32>
    %dot_general3A_66 = tpu.matmul %max3A_62, %get3A_65, %dot_general3A {dimension_numbers = #tpu.dot_dimension_numbers<[1], [0], [0], [1], [0, 0, 1, 1], [], []>, transpose_lhs_hint = false} : vector<8000x32xf32>, vector<32x32xf32>, vector<8000x32xf32> -> vector<8000x32xf32>
    %get3A_67 = arith.constant 0 : index
    %get3A_68 = arith.constant 0 : index
    %get3A_69 = vector.load %arg7[%get3A_67, %get3A_68] : memref<1x32xf32, #tpu.memory_space<vmem>>, vector<1x32xf32>
    %add3A_70 = vector.broadcast %get3A_69 : vector<1x32xf32> to vector<8000x32xf32>
    %add3A_71 = arith.addf %dot_general3A_66, %add3A_70 : vector<8000x32xf32>
    %max3A_72 = arith.constant 0.000000e+00 : f32
    %max3A_73 = vector.broadcast %max3A_72 : f32 to vector<8000x32xf32>
    %max3A_74 = arith.maximumf %add3A_71, %max3A_73 : vector<8000x32xf32>
    %get3A_75 = arith.constant 0 : index
    %get3A_76 = arith.constant 0 : index
    %get3A_77 = vector.load %arg8[%get3A_75, %get3A_76] : memref<32x32xf32, #tpu.memory_space<vmem>>, vector<32x32xf32>
    %dot_general3A_78 = arith.constant dense<0.000000e+00> : vector<8000x32xf32>
    %dot_general3A_79 = tpu.matmul %max3A_74, %get3A_77, %dot_general3A_78 {dimension_numbers = #tpu.dot_dimension_numbers<[1], [0], [0], [1], [0, 0, 1, 1], [], []>, transpose_lhs_hint = false} : vector<8000x32xf32>, vector<32x32xf32>, vector<8000x32xf32> -> vector<8000x32xf32>
    %get3A_80 = arith.constant 0 : index
    %get3A_81 = arith.constant 0 : index
    %get3A_82 = vector.load %arg9[%get3A_80, %get3A_81] : memref<1x1xf32, #tpu.memory_space<vmem>>, vector<1x1xf32>
    %add3A_83 = vector.broadcast %get3A_82 : vector<1x1xf32> to vector<8000x32xf32>
    %add3A_84 = arith.addf %dot_general3A_79, %add3A_83 : vector<8000x32xf32>
    %logistic3A = arith.negf %add3A_84 : vector<8000x32xf32>
    %logistic3A_85 = math.exp %logistic3A : vector<8000x32xf32>
    %logistic3A_86 = arith.constant 1.000000e+00 : f32
    %logistic3A_87 = vector.broadcast %logistic3A_86 : f32 to vector<8000x32xf32>
    %logistic3A_88 = arith.addf %logistic3A_87, %logistic3A_85 : vector<8000x32xf32>
    %logistic3A_89 = arith.divf %logistic3A_87, %logistic3A_88 : vector<8000x32xf32>
    %mul3A_90 = arith.mulf %max3A_74, %logistic3A_89 : vector<8000x32xf32>
    %swap3A = arith.constant 0 : index
    %swap3A_91 = arith.constant 0 : index
    %swap3A_92 = vector.load %arg13[%swap3A, %swap3A_91] : memref<8000x32xf32, #tpu.memory_space<vmem>>, vector<8000x32xf32>
    tpu.vector_store %arg13[%swap3A, %swap3A_91], %mul3A_90 {strides = array<i32>} : memref<8000x32xf32, #tpu.memory_space<vmem>>, vector<8000x32xf32>,
    %get3A_93 = arith.constant 0 : index
    %get3A_94 = arith.constant 0 : index
    %get3A_95 = vector.load %arg10[%get3A_93, %get3A_94] : memref<32x32xf32, #tpu.memory_space<vmem>>, vector<32x32xf32>
    %dot_general3A_96 = arith.constant dense<0.000000e+00> : vector<8000x32xf32>
    %dot_general3A_97 = tpu.matmul %mul3A_90, %get3A_95, %dot_general3A_96 {dimension_numbers = #tpu.dot_dimension_numbers<[1], [0], [0], [1], [0, 0, 1, 1], [], []>, transpose_lhs_hint = false} : vector<8000x32xf32>, vector<32x32xf32>, vector<8000x32xf32> -> vector<8000x32xf32>
    %get3A_98 = arith.constant 0 : index
    %get3A_99 = arith.constant 0 : index
    %get3A_100 = vector.load %arg11[%get3A_98, %get3A_99] : memref<1x32xf32, #tpu.memory_space<vmem>>, vector<1x32xf32>
    %add3A_101 = vector.broadcast %get3A_100 : vector<1x32xf32> to vector<8000x32xf32>
    %add3A_102 = arith.addf %dot_general3A_97, %add3A_101 : vector<8000x32xf32>
    %max3A_103 = arith.constant 0.000000e+00 : f32
    %max3A_104 = vector.broadcast %max3A_103 : f32 to vector<8000x32xf32>
    %max3A_105 = arith.maximumf %add3A_102, %max3A_104 : vector<8000x32xf32>
    %get3A_106 = arith.constant 0 : index
    %get3A_107 = arith.constant 0 : index
    %get3A_108 = vector.load %arg12[%get3A_106, %get3A_107] : memref<32x1xf32, #tpu.memory_space<vmem>>, vector<32x1xf32>
    %dot_general3A_109 = arith.constant dense<0.000000e+00> : vector<8000x1xf32>
    %dot_general3A_110 = tpu.matmul %max3A_105, %get3A_108, %dot_general3A_109 {dimension_numbers = #tpu.dot_dimension_numbers<[1], [0], [0], [1], [0, 0, 1, 1], [], []>, transpose_lhs_hint = false} : vector<8000x32xf32>, vector<32x1xf32>, vector<8000x1xf32> -> vector<8000x1xf32>
    %swap3A_111 = arith.constant 0 : index
    %swap3A_112 = arith.constant 0 : index
    %swap3A_113 = vector.load %arg14[%swap3A_111, %swap3A_112] : memref<8000x1xf32, #tpu.memory_space<vmem>>, vector<8000x1xf32>
    tpu.vector_store %arg14[%swap3A_111, %swap3A_112], %dot_general3A_110 {strides = array<i32>} : memref<8000x1xf32, #tpu.memory_space<vmem>>, vector<8000x1xf32>,
    return
  }
  func.func @transform_0(%arg0: i32) -> (i32, i32, i32) {
    %c0_i32 = arith.constant 0 : i32
    %c0_i32_0 = arith.constant 0 : i32
    %c0_i32_1 = arith.constant 0 : i32
    return %arg0, %c0_i32, %c0_i32_0 : i32, i32, i32
  }
  func.func @transform_1(%arg0: i32) -> (i32, i32, i32) {
    %c0_i32 = arith.constant 0 : i32
    %c0_i32_0 = arith.constant 0 : i32
    %c0_i32_1 = arith.constant 0 : i32
    return %arg0, %c0_i32, %c0_i32_0 : i32, i32, i32
  }
  func.func @transform_2(%arg0: i32) -> (i32, i32) {
    %c0_i32 = arith.constant 0 : i32
    %c0_i32_0 = arith.constant 0 : i32
    %c0_i32_1 = arith.constant 0 : i32
    return %c0_i32, %c0_i32_0 : i32, i32
  }
  func.func @transform_3(%arg0: i32) -> (i32, i32) {
    %c0_i32 = arith.constant 0 : i32
    %c0_i32_0 = arith.constant 0 : i32
    %c0_i32_1 = arith.constant 0 : i32
    return %c0_i32, %c0_i32_0 : i32, i32
  }
  func.func @transform_4(%arg0: i32) -> (i32, i32) {
    %c0_i32 = arith.constant 0 : i32
    %c0_i32_0 = arith.constant 0 : i32
    %c0_i32_1 = arith.constant 0 : i32
    return %c0_i32, %c0_i32_0 : i32, i32
  }
  func.func @transform_5(%arg0: i32) -> (i32, i32) {
    %c0_i32 = arith.constant 0 : i32
    %c0_i32_0 = arith.constant 0 : i32
    %c0_i32_1 = arith.constant 0 : i32
    return %c0_i32, %c0_i32_0 : i32, i32
  }
  func.func @transform_6(%arg0: i32) -> (i32, i32) {
    %c0_i32 = arith.constant 0 : i32
    %c0_i32_0 = arith.constant 0 : i32
    %c0_i32_1 = arith.constant 0 : i32
    return %c0_i32, %c0_i32_0 : i32, i32
  }
  func.func @transform_7(%arg0: i32) -> (i32, i32) {
    %c0_i32 = arith.constant 0 : i32
    %c0_i32_0 = arith.constant 0 : i32
    %c0_i32_1 = arith.constant 0 : i32
    return %c0_i32, %c0_i32_0 : i32, i32
  }
  func.func @transform_8(%arg0: i32) -> (i32, i32) {
    %c0_i32 = arith.constant 0 : i32
    %c0_i32_0 = arith.constant 0 : i32
    %c0_i32_1 = arith.constant 0 : i32
    return %c0_i32, %c0_i32_0 : i32, i32
  }
  func.func @transform_9(%arg0: i32) -> (i32, i32) {
    %c0_i32 = arith.constant 0 : i32
    %c0_i32_0 = arith.constant 0 : i32
    %c0_i32_1 = arith.constant 0 : i32
    return %c0_i32, %c0_i32_0 : i32, i32
  }
  func.func @transform_10(%arg0: i32) -> (i32, i32) {
    %c0_i32 = arith.constant 0 : i32
    %c0_i32_0 = arith.constant 0 : i32
    %c0_i32_1 = arith.constant 0 : i32
    return %c0_i32, %c0_i32_0 : i32, i32
  }
  func.func @transform_11(%arg0: i32) -> (i32, i32) {
    %c0_i32 = arith.constant 0 : i32
    %c0_i32_0 = arith.constant 0 : i32
    %c0_i32_1 = arith.constant 0 : i32
    return %c0_i32, %c0_i32_0 : i32, i32
  }
  func.func @transform_12(%arg0: i32) -> (i32, i32) {
    %c0_i32 = arith.constant 0 : i32
    %c0_i32_0 = arith.constant 0 : i32
    return %arg0, %c0_i32 : i32, i32
  }
  func.func @transform_13(%arg0: i32) -> (i32, i32) {
    %c0_i32 = arith.constant 0 : i32
    %c0_i32_0 = arith.constant 0 : i32
    return %arg0, %c0_i32 : i32, i32
  }
}

module attributes {stable_mosaic.version = 14 : i64} {
  func.func @_combine_kernel(%arg0: i32, %arg1: memref<6256x4xf32, #tpu.memory_space<vmem>>, %arg2: memref<2x6256x4xf32, #tpu.memory_space<vmem>>, %arg3: memref<6256x4xf32, #tpu.memory_space<vmem>>) attributes {dimension_semantics = [#tpu.dimension_semantics<arbitrary>], iteration_bounds = array<i64: 8>, scalar_prefetch = 0 : i64, scratch_operands = 0 : i64, tpu.core_type = #tpu.core_type<tc>, window_params = [{transform_indices = @transform_0, window_bounds = array<i64: 6256, 4>}, {transform_indices = @transform_1, window_bounds = array<i64: 2, 6256, 4>}, {transform_indices = @transform_2, window_bounds = array<i64: 6256, 4>}]} {
    %get3A = arith.constant 0 : index
    %get3A_0 = arith.constant 0 : index
    %get3A_1 = arith.constant 0 : index
    %get3A_2 = vector.load %arg2[%get3A, %get3A_0, %get3A_1] : memref<2x6256x4xf32, #tpu.memory_space<vmem>>, vector<1x6256x4xf32>
    %get3A_3 = vector.shape_cast %get3A_2 : vector<1x6256x4xf32> to vector<6256x4xf32>
    %get3A_4 = arith.constant 1 : index
    %get3A_5 = arith.constant 0 : index
    %get3A_6 = arith.constant 0 : index
    %get3A_7 = vector.load %arg2[%get3A_4, %get3A_5, %get3A_6] : memref<2x6256x4xf32, #tpu.memory_space<vmem>>, vector<1x6256x4xf32>
    %get3A_8 = vector.shape_cast %get3A_7 : vector<1x6256x4xf32> to vector<6256x4xf32>
    %add3A = arith.addf %get3A_3, %get3A_8 : vector<6256x4xf32>
    %slice3A = vector.extract_strided_slice %add3A {offsets = [0, 3], sizes = [6256, 1], strides = [1, 1]} : vector<6256x4xf32> to vector<6256x1xf32>
    %get3A_9 = arith.constant 0 : index
    %get3A_10 = arith.constant 0 : index
    %get3A_11 = vector.load %arg1[%get3A_9, %get3A_10] : memref<6256x4xf32, #tpu.memory_space<vmem>>, vector<6256x4xf32>
    %max3A = arith.constant 1.000000e+00 : f32
    %max3A_12 = vector.broadcast %max3A : f32 to vector<6256x1xf32>
    %max3A_13 = arith.maximumf %slice3A, %max3A_12 : vector<6256x1xf32>
    %div3A = vector.broadcast %max3A_13 : vector<6256x1xf32> to vector<6256x4xf32>
    %div3A_14 = arith.divf %add3A, %div3A : vector<6256x4xf32>
    %mul3A = arith.constant 1.000000e+00 : f32
    %mul3A_15 = vector.broadcast %mul3A : f32 to vector<6256x4xf32>
    %mul3A_16 = arith.mulf %div3A_14, %mul3A_15 : vector<6256x4xf32>
    %add3A_17 = arith.addf %get3A_11, %mul3A_16 : vector<6256x4xf32>
    %swap3A = arith.constant 0 : index
    %swap3A_18 = arith.constant 0 : index
    %swap3A_19 = vector.load %arg3[%swap3A, %swap3A_18] : memref<6256x4xf32, #tpu.memory_space<vmem>>, vector<6256x4xf32>
    tpu.vector_store %arg3[%swap3A, %swap3A_18], %add3A_17 {strides = array<i32>} : memref<6256x4xf32, #tpu.memory_space<vmem>>, vector<6256x4xf32>,
    return
  }
  func.func @transform_0(%arg0: i32) -> (i32, i32) {
    %c0_i32 = arith.constant 0 : i32
    %c0_i32_0 = arith.constant 0 : i32
    return %arg0, %c0_i32 : i32, i32
  }
  func.func @transform_1(%arg0: i32) -> (i32, i32, i32) {
    %c0_i32 = arith.constant 0 : i32
    %c0_i32_0 = arith.constant 0 : i32
    %c0_i32_1 = arith.constant 0 : i32
    return %c0_i32, %arg0, %c0_i32_0 : i32, i32, i32
  }
  func.func @transform_2(%arg0: i32) -> (i32, i32) {
    %c0_i32 = arith.constant 0 : i32
    %c0_i32_0 = arith.constant 0 : i32
    return %arg0, %c0_i32 : i32, i32
  }
}

</mosaic_0001>

<sc_bundles>
// kernel: kernel.10.cloned.1.call-start
scs
__scs_entry_jumppad:
0x0: {  	(pc) =	sbr.rel $0x88, $3  }
0x1: {  	(tag) =	ssettag $0x0;
	lr =	simm.s32 $0x1  }
0x2: {  	[smem:$0x3F95] =	sst lr;
	_ =	strace $0xD0000000  }
0x3: {  	_ = 	snop  }
0x4: {  	_ = 	snop  }
0x5: {  	_ = 	snop  }
0x6: {  	_ = 	snop  }
0x7: {  	_ = 	snop  }
__scs_overlays_trampoline_lowered:
0x8: {  	[smem:$0x3FA4] =	sst s0  }
0x9: {  	[smem:$0x3FA5] =	sst s1  }
0xa: {  	[smem:$0x3FA6] =	sst s2  }
0xb: {  	[smem:$0x3FA7] =	sst s3  }
0xc: {  	[smem:$0x3FA8] =	sst s4  }
0xd: {  	[smem:$0x3FA9] =	sst s5  }
0xe: {  	[smem:$0x3FAA] =	sst s6  }
0xf: {  	[smem:$0x3FAB] =	sst s7  }
0x10: {  	[smem:$0x3FAC] =	sst s8  }
0x11: {  	[smem:$0x3FAD] =	sst s9;
	s0 =	simm.s32 @!p0 $0x0  }
0x12: {  	s1 =	sld [smem:$0x3F93];
	s0 =	simm.s32 @p0 $0x1  }
0x13: {  	[smem:$0x3FAE] =	sst s0;
	s0 =	simm.s32 @!p1 $0x0  }
0x14: {  	s2 =	sld [smem:$0x3F92];
	s0 =	simm.s32 @p1 $0x1  }
0x15: {  	[smem:$0x3FAF] =	sst s0;
	s0 =	simm.s32 @!p2 $0x0  }
0x16: {  	s3 =	sld [smem:$0x3FDB];
	s0 =	simm.s32 @p2 $0x1  }
0x17: {  	s4 =	simm.s32 $0x1BF5;
	[smem:$0x3FB1] =	sst s0  }
0x18: {  	s0 =	sld [smem:$0x3F94];
	_ =	swait.ge [sflag:s4], $0x0  }
0x19: {  	s7 =	sld [smem:$0x3F95]  }
0x1a: {  	s8 =	sadd.s32 $0xFFFFE003, lr  }
0x1b: {  	s9 =	sadd.s32 $0xFFFFFEF7, lr;
	s5 =	simm.s32 $0xFFFFFFFF;
	p2 =	slt.u32 s8, $0xFFFFF086  }
0x1c: {  	p1 =	slt.u32 s9, $0xF7A;
	s5 =	simm.s32 @!p2 $0x0  }
0x1d: {  	s5 =	simm.s32 @p1 $0x1;
	p0 =	seq.s32 s7, s2  }
0x1e: {  	s7 =	smul.u32 @!p0 $0xF7A, s2;
	p2 =	seq.s32 @!p0 s5, $0x0  }
0x1f: {  	s9 =	smul.u32 $0xF7A, s1;
	s8 =	simm.s32 @!p0 $0x1BF5;
	p2 =	por !p2, p0  }
0x20: {  	[sflag:s8] =	ssyncset.s32 @!p0 $0xFFFFF086;
	s6 =	sadd.s32 @!p0 s3, s7;
	s7 =	simm.s32 @!p0 $0x108  }
0x21: {  	s3 =	sadd.s32 s3, s9;
	s6 =	sadd.s32 @!p0 $0x88, s6;
	s7 =	simm.s32 @p2 $0x1082  }
0x22: {  	[simem:s7], [sflag:s8] =	dma.local @!p0 [hbm:s6], $0xF7A  }
0x23: {  	s9 =	sor.u32 $0xD0000000, s2;
	s6 =	simm.s32 $0x108;
	_ =	swait.ge @!p0 [sflag:s8], $0x0  }
0x24: {  	s3 =	sadd.s32 $0x88, s3;
	s6 =	simm.s32 @!p1 $0x1082;
	[sflag:s4] =	ssyncset.s32 $0xFFFFF086  }
0x25: {  	[simem:s6], [sflag:s4] =	dma.local [hbm:s3], $0xF7A  }
0x26: {  	[smem:$0x3F95] =	sst s1;
	(tag) =	ssettag s2;
	_ =	strace s9  }
0x27: {  	s1 =	sld [smem:$0x3FA5]  }
0x28: {  	s2 =	sld [smem:$0x3FA6]  }
0x29: {  	s4 =	sld [smem:$0x3FA8]  }
0x2a: {  	p0 =	seq.s32 s5, $0x0;
	s5 =	sld [smem:$0x3FA9]  }
0x2b: {  	s6 =	sld [smem:$0x3FAA]  }
0x2c: {  	s7 =	sld [smem:$0x3FAB]  }
0x2d: {  	s3 =	simm.s32 $0x108;
	s8 =	sld [smem:$0x3FAC]  }
0x2e: {  	s3 =	simm.s32 @!p0 $0x1082;
	s9 =	sld [smem:$0x3FAD]  }
0x2f: {  	lr =	sadd.s32 s0, s3;
	s0 =	sld [smem:$0x3FA4]  }
0x30: {  	s3 =	sld [smem:$0x3FA7]  }
0x31: {  	[smem:$0x3FB0] =	sst s10  }
0x32: {  	s10 =	sld [smem:$0x3FAE];
	_ =	sdelay $0x3  }
0x33: {  	p0 =	seq.s32 s10, $0x1;
	s10 =	sld [smem:$0x3FB0];
	_ =	sdelay $0x3  }
0x34: {  	[smem:$0x3FB0] =	sst s10  }
0x35: {  	s10 =	sld [smem:$0x3FAF];
	_ =	sdelay $0x3  }
0x36: {  	p1 =	seq.s32 s10, $0x1;
	s10 =	sld [smem:$0x3FB0];
	_ =	sdelay $0x3  }
0x37: {  	[smem:$0x3FB0] =	sst s10  }
0x38: {  	s10 =	sld [smem:$0x3FB1]  }
0x39: {  	_ = 	snop;
	(pc) =	sbr.ind lr, $3  }
0x3a: {  	_ = 	snop  }
0x3b: {  	_ = 	snop  }
0x3c: {  	p2 =	seq.s32 s10, $0x1;
	s10 =	sld [smem:$0x3FB0]  }
0x3d: {  	_ =	shalt  }
0x3e: {  	_ =	shalt  }
0x3f: {  	_ =	shalt  }
0x40: {  	_ =	shalt  }
0x41: {  	_ =	shalt  }
0x42: {  	_ =	shalt  }
0x43: {  	_ =	shalt  }
0x44: {  	_ =	shalt  }
0x45: {  	_ =	shalt  }
0x46: {  	_ =	shalt  }
0x47: {  	_ =	shalt  }
0x48: {  	_ =	shalt  }
0x49: {  	_ =	shalt  }
0x4a: {  	_ =	shalt  }
0x4b: {  	_ =	shalt  }
0x4c: {  	_ =	shalt  }
0x4d: {  	_ =	shalt  }
0x4e: {  	_ =	shalt  }
0x4f: {  	_ =	shalt  }
0x50: {  	_ =	shalt  }
0x51: {  	_ =	shalt  }
0x52: {  	_ =	shalt  }
0x53: {  	_ =	shalt  }
0x54: {  	_ =	shalt  }
0x55: {  	_ =	shalt  }
0x56: {  	_ =	shalt  }
0x57: {  	_ =	shalt  }
0x58: {  	_ =	shalt  }
0x59: {  	_ =	shalt  }
0x5a: {  	_ =	shalt  }
0x5b: {  	_ =	shalt  }
0x5c: {  	_ =	shalt  }
0x5d: {  	_ =	shalt  }
0x5e: {  	_ =	shalt  }
0x5f: {  	_ =	shalt  }
0x60: {  	_ =	shalt  }
0x61: {  	_ =	shalt  }
0x62: {  	_ =	shalt  }
0x63: {  	_ =	shalt  }
0x64: {  	_ =	shalt  }
0x65: {  	_ =	shalt  }
0x66: {  	_ =	shalt  }
0x67: {  	_ =	shalt  }
0x68: {  	_ =	shalt  }
0x69: {  	_ =	shalt  }
0x6a: {  	_ =	shalt  }
0x6b: {  	_ =	shalt  }
0x6c: {  	_ =	shalt  }
0x6d: {  	_ =	shalt  }
0x6e: {  	_ =	shalt  }
0x6f: {  	_ =	shalt  }
0x70: {  	_ =	shalt  }
0x71: {  	_ =	shalt  }
0x72: {  	_ =	shalt  }
0x73: {  	_ =	shalt  }
0x74: {  	_ =	shalt  }
0x75: {  	_ =	shalt  }
0x76: {  	_ =	shalt  }
0x77: {  	_ =	shalt  }
0x78: {  	_ =	shalt  }
0x79: {  	_ =	shalt  }
0x7a: {  	_ =	shalt  }
0x7b: {  	_ =	shalt  }
0x7c: {  	_ =	shalt  }
0x7d: {  	_ =	shalt  }
0x7e: {  	_ =	shalt  }
0x7f: {  	_ =	shalt  }
0x80: {  	_ =	shalt  }
0x81: {  	_ =	shalt  }
0x82: {  	_ =	shalt  }
0x83: {  	_ =	shalt  }
0x84: {  	_ =	shalt  }
0x85: {  	_ =	shalt  }
0x86: {  	_ =	shalt  }
0x87: {  	_ =	shalt  }
.Lfunc_end0:
.L_simem_size_0:
called_computation.1_lowered:
.L_overlay_start_0:
0x88: {  	s2 =	sld [smem:$0x3FD9]  }
0x89: {  	s3 =	sld [smem:$0x3FFE];
	_ =	sdelay $0x1  }
0x8a: {  	s1 =	srdreg.scid  }
0x8b: {  	s0 =	sand.u32 $0x1, s1  }
0x8c: {  	s16 =	sshll.u32 s0, $0xA;
	s2 =	sadd.s32 s3, s2  }
0x8d: {  	s2 =	sadd.s32 s2, s16  }
0x8e: {  	[smem:$0x3FBC] =	sst s2  }
0x8f: {  	_ = 	snop  }
0x90: {  	(tm) =	ssettm $0x1  }
0x91: {  	s17 =	sld [smem:$0x3FFB];
	_ =	sdelay $0x3  }
0x92: {  	_ =	strace s17  }
0x93: {  	s2 =	sld [smem:$0x3FFC];
	_ =	sdelay $0x3  }
0x94: {  	_ =	strace s2  }
0x95: {  	s2 =	sld [smem:$0x3FFD];
	_ =	sdelay $0x3  }
0x96: {  	_ =	strace s2  }
0x97: {  	_ =	strace $0x8FFFFFFF  }
0x98: {  	s18 =	sld [smem:$0x3FDB];
	_ =	sdelay $0x1  }
0x99: {  	s19 =	simm.s32 $_scs_section_size  }
0x9a: {  	s4 =	simm.s32 $_size__tile_overlayer_lowered;
	s5 =	simm.s32 $_tile_overlayer_lowered  }
0x9b: {  	s22 =	simm.s32 $0x1BFF;
	s21 =	sshll.u32 s5, $0x1;
	s2 =	sadd.s32 s19, s18  }
0x9c: {  	s6 =	simm.s32 $0x0;
	s20 =	sshll.u32 s4, $0x1;
	s4 =	sadd.s32 s21, s2  }
0x9d: {  	[timem:s6], [sflag:s22] =	dma.local [hbm:s4], s20  }
0x9e: {  	_ =	swait.ge [sflag:s22], s20  }
0x9f: {  	s3 =	ssub.s32 $0x0, s20;
	[sflag:s22] =	ssyncset.done $0x0  }
0xa0: {  	[sflag:s22] =	ssyncadd.s32 s3;
	_ =	sdelay $0x1  }
0xa1: {  	s23 =	simm.s32 $0x1B8B  }
0xa2: {  	_ =	swait.ge [sflag:s23], $0x1  }
0xa3: {  	[sflag:s23] =	ssyncset.done $0x0  }
0xa4: {  	s25 =	simm.s32 $0x1B8E;
	s24 =	sld [smem:$0x3FFE];
	[sflag:s23] =	ssyncadd.s32 $0xFFFFFFFF  }
0xa5: {  	s26 =	simm.s32 $execute0_lowered;
	[smem:$0x3FD2] =	sst s25  }
0xa6: {  	s4 =	sshll.u32 s26, $0x1;
	_ =	strace $0x80000049;
	[dreg:$0x1] =	wrdreg $0xFFFFFFFF  }
0xa7: {  	s28 =	simm.s32 $_size_execute0_lowered;
	s2 =	sadd.s32 s2, s4;
	[dreg:$0x0] =	wrdreg $0x0  }
0xa8: {  	s4 =	sshll.u32 s28, $0x1;
	[dreg:$0x2] =	wrdreg s2  }
0xa9: {  	[dreg:$0x3] =	wrdreg s4  }
0xaa: {  	[dreg:$0x4] =	wrdreg $0xC0  }
0xab: {  	_ =	task [dreg:s6], $0x5FFFF  }
0xac: {  	[dreg:$0x1] =	wrdreg $0xFFFFFFFF  }
0xad: {  	[dreg:$0x0] =	wrdreg $0x60  }
0xae: {  	[dreg:$0x2] =	wrdreg s24  }
0xaf: {  	[dreg:$0x3] =	wrdreg $0x65900  }
0xb0: {  	[dreg:$0x4] =	wrdreg $0x9  }
0xb1: {  	_ =	task.clear_ibuf [dreg:s6], $0x5FFFF;
	_ =	strace $0x90000049  }
0xb2: {  	s29 =	simm.s32 $0x9;
	_ =	strace $0x8000004B  }
0xb3: {  	_ =	swait.ge [sflag:s29], $0x1  }
0xb4: {  	[sflag:s29] =	ssyncadd.s32 $0xFFFFFFFF  }
0xb5: {  	_ =	strace $0x9000004B  }
0xb6: {  	_ =	sfence  }
0xb7: {  	s30 =	sld [smem:$0x0];
	_ =	sdelay $0x2  }
0xb8: {  	s31 =	sshll.u32 s1, $0xD;
	s1 =	sshrl.u32 s1, $0x2  }
0xb9: {  	s3 =	sand.u32 $0x4000, s31;
	s1 =	sadd.s32 s1, s30  }
0xba: {  	s0 =	sor.u32 s3, s0;
	s1 =	sshll.u32 s1, $0x11  }
0xbb: {  	s0 =	sor.u32 s1, s0  }
0xbc: {  	s0 =	sadd.s32 $0x8F2B, s0  }
0xbd: {  	[sflag:s0] =	ssyncadd.remote.s32 $0x1  }
0xbe: {  	_ =	sfence.sel $0xFFFF  }
0xbf: {  	[dreg:$0x0] =	wrdreg $0xFFFFFFFF;
	(pc) =	sbr.abs _section_cstart, $3  }
0xc0: {  	[dreg:$0x1] =	wrdreg $0xFFFFFFFF  }
0xc1: {  	_ =	task.clear_ibuf [dreg:s6], $0x2FFFF;
	_ =	strace $0x9FFFFFFF  }
0xc2: {  	(tm) =	ssettm $0x7FFFFFFF  }
0xc3: {  	_ =	shalt  }
tec
execute0_lowered:
.L_overlay_start_1:
0x0: {  	(tag) =	ssettag $0x1  }
0x1: {  	s0 =	rddreg [dreg:$0x0]  }
0x2: {  	s1 =	rddreg [dreg:$0x1];
	s3 =	simm.s32 $0x0  }
0x3: {  	s2 =	srdreg.scid;
	s12 =	stileid.u32;
	s15 =	simm.s32 $0x2710  }
0x4: {  	s16 =	simm.s32 $0x2;
	s17 =	simm.s32 $0x50;
	s13 =	simm.s32 $0x5690  }
0x5: {  	s14 =	simm.s32 $0x640;
	s18 =	simm.s32 $0x5B90;
	s19 =	simm.s32 $0x6E0  }
0x6: {  	s20 =	simm.s32 $0x5E10;
	s21 =	simm.s32 $0x730;
	s22 =	simm.s32 $0x6090  }
0x7: {  	s23 =	simm.s32 $0x780;
	s24 =	simm.s32 $0x6310;
	s28 =	simm.s32 $0x0  }
0x8: {  	[smem:$0x7FF] =	sst s3;
	s2 =	sand.u32 $0x1, s2;
	s4 =	sadd.s32 $0x32800, s0  }
0x9: {  	s5 =	sadd.s32 $0xC5200, s0;
	s9 =	smul.u32 $0x61C0, s12;
	s6 =	sadd.s32 $0x133000, s0  }
0xa: {  	s7 =	sadd.s32 $0x163E00, s0;
	s8 =	sadd.s32 $0x1A00, s0;
	s25 =	smul.u32 $0x61C00, s2  }
0xb: {  	s10 =	sadd.s32 $0xF6200, s0;
	s26 =	sshll.u32 s12, $0x1;
	p0 =	sne.s32 s12, $0x0  }
0xc: {  	_ =	strace $0x8000004A;
	[dreg:$0x3] =	wrdreg s10;
	s3 =	sadd.s32 s9, s25  }
0xd: {  	s11 =	ssub.s32 $0x2, s2;
	s2 =	sor.u32 s2, s26;
	s3 =	sshrl.u32 s3, $0x3  }
0xe: {  	s29 =	sshrl.u32 s11, $0x1;
	s10 =	smul.u32 $0xC350, s2;
	s0 =	sadd.s32 s3, s0  }
0xf: {  	s3 =	ssub.s32 s11, s29;
	s11 =	smul.u32 $0x19, s2;
	s2 =	sshrl.u32 @!p0 s1, $0x3  }
0x10: {  	s26 =	simm.s32 $0x1;
	s0 =	sadd.s32 $0x102600, s0;
	[dreg:$0x6] =	wrdreg s2  }
0x11: {  	s30 =	sadd.s32 s9, s1;
	s31 =	smax.u32 s3, $0x1;
	[dreg:$0x4] =	wrdreg s0  }
0x12: {  	v0 =	vlaneseq.u32;
	s25 =	simm.s32 $0x5910;
	[dreg:$0x5] =	wrdreg s31;
	s0 =	sshrl.u32 s30, $0x3  }
0x13: {  	v1 =	vimm.f32 $1.000000000e+00;
	v0 =	vmul.u32 $0x8, v0;
	s2 =	simm.s32 $0x690;
	s3 =	simm.s32 $0x0;
	[dreg:$0x7] =	wrdreg s0  }
.LBB2_1:
0x14: {  	[dreg:$0x8] =	wrdreg s3  }
0x15: {  	s3 =	rddreg [dreg:$0x3]  }
0x16: {  	s0 =	simm.s32 @!p0 $0x1C02;
	s9 =	rddreg [dreg:$0x6];
	s31 =	simm.s32 $0x0  }
0x17: {  	[spmem:s9], [sflag:s0] =	dma.local @!p0 [hbm:s3], $0xC380  }
0x18: {  	s0 =	simm.s32 @!p0 $0x2;
	v2 =	vmov s31  }
0x19: {  	_ =	swait.ge @!p0 [sflag:s0], $0xC380;
	v2 =	vshll.u32 v2, $0x3  }
0x1a: {  	[sflag:s0] =	ssyncset.done @!p0 $0x0;
	v2 =	vor.u32 v0, v2  }
0x1b: {  	[sflag:s0] =	ssyncadd.s32 @!p0 $0xFFFF3C80;
	s0 =	simm.s32 $0x10;
	v2 =	vor.u32 $0x3, v2  }
.LBB2_2:
0x1c: {  	p1 =	sne.s32 s0, $0x7C0  }
.Ltmp0:
0x1d: {  	_ = 	snop;
	(pc) =	sbr.rel @p1 .LBB2_2-.Ltmp0, $4  }
0x1e: {  	v3 =	vmov s0  }
0x1f: {  	v3 =	vshll.u32 v3, $0x3  }
0x20: {  	v3 =	vor.u32 v0, v3  }
0x21: {  	s0 =	sadd.s32 $0x10, s0;
	[tilespmem:v2+s15+$0x0] =	vst.idx.msk $0xffff, v1;
	v2 =	vor.u32 $0x3, v3  }
0x22: {  	_ =	sdelay $0x3  }
0x23: {  	[tilespmem:v2+s15+$0x0] =	vst.idx.msk $0xffff, v1  }
0x24: {  	s29 =	simm.s32 $0x0;
	[bflag:$0x0] =	sbarrier.arrive $0xFFFF  }
.LBB2_4:
0x25: {  	s0 =	sadd.s32 s11, s29  }
0x26: {  	s0 =	smul.u32 $0xFA, s0;
	_ =	sdelay $0x1  }
0x27: {  	s3 =	smul.u32 $0x7D0, s29;
	s0 =	sadd.s32 s4, s0  }
0x28: {  	[tilespmem:s28], [sflag:$0x2] =	stream.linear.gather [hbm4b:s0+s28], $0x7D0, $0x38;
	[tilespmem:$0x9670] =	vst v63  }
0x29: {  	s9 =	sadd.s32 s10, s3;
	_ =	swait.ge [sflag:s16], $0x7D0  }
0x2a: {  	s0 =	sshrl.u32 s9, $0x3;
	[sflag:s16] =	ssyncset.done $0x0  }
0x2b: {  	s30 =	simm.s32 $0x7D0;
	s12 =	sadd.s32 s5, s0;
	[sflag:s16] =	ssyncadd.s32 $0xFFFFF830  }
0x2c: {  	[tilespmem:s30], [sflag:$0x2] =	stream.linear.gather [hbm4b:s12+s28], $0x7D0, $0x38;
	[tilespmem:$0x9670] =	vst v63  }
0x2d: {  	_ =	swait.ge [sflag:s16], $0x7D0  }
0x2e: {  	[sflag:s16] =	ssyncset.done $0x0  }
0x2f: {  	s31 =	simm.s32 $0xFA0;
	s9 =	sadd.s32 s6, s0;
	[sflag:s16] =	ssyncadd.s32 $0xFFFFF830  }
0x30: {  	[tilespmem:s31], [sflag:$0x2] =	stream.linear.gather [hbm4b:s9+s28], $0x7D0, $0x38;
	[tilespmem:$0x9670] =	vst v63  }
0x31: {  	_ =	swait.ge [sflag:s16], $0x7D0  }
0x32: {  	[sflag:s16] =	ssyncset.done $0x0  }
0x33: {  	s12 =	sadd.s32 s7, s0;
	s9 =	simm.s32 $0x1770;
	[sflag:s16] =	ssyncadd.s32 $0xFFFFF830  }
0x34: {  	[tilespmem:s9], [sflag:$0x2] =	stream.linear.gather [hbm4b:s12+s28], $0x7D0, $0x38;
	[tilespmem:$0x9670] =	vst v63  }
0x35: {  	_ =	swait.ge [sflag:s16], $0x7D0  }
0x36: {  	[sflag:s16] =	ssyncset.done $0x0  }
0x37: {  	s12 =	sadd.s32 s8, s0;
	s0 =	simm.s32 $0x1F40;
	[sflag:s16] =	ssyncadd.s32 $0xFFFFF830  }
0x38: {  	[tilespmem:s0], [sflag:$0x2] =	stream.linear.gather [hbm4b:s12+s28], $0x7D0, $0x38;
	[tilespmem:$0x9670] =	vst v63  }
0x39: {  	_ =	swait.ge [sflag:s16], $0x7D0  }
0x3a: {  	[sflag:s16] =	ssyncset.done $0x0  }
0x3b: {  	[sflag:s16] =	ssyncadd.s32 $0xFFFFF830  }
0x3c: {  	v2 =	vld [tilespmem:s0+$0x0]  }
0x3d: {  	v3 =	vld [tilespmem:s30+$0x0]  }
0x3e: {  	v4 =	vld [tilespmem:s31+$0x0]  }
0x3f: {  	v6 =	vld [tilespmem:s9+$0x0];
	_ =	sdelay $0x2  }
0x40: {  	v5 =	vmov s28  }
0x41: {  	v5 =	vshll.u32 v5, $0x3;
	v3 =	vmul.f32 v3, v2  }
0x42: {  	v5 =	vor.u32 v0, v5;
	v4 =	vmul.f32 v4, v2;
	v2 =	vmul.f32 v6, v2  }
0x43: {  	v7 =	vor.u32 $0x1, v5  }
0x44: {  	v6 =	vmax.f32 v2, $-1.000000000e+02;
	v2 =	vor.u32 $0x2, v5  }
0x45: {  	v3 =	vmax.f32 v3, $-1.000000000e+02  }
0x46: {  	v4 =	vmax.f32 v4, $-1.000000000e+02;
	v3 =	vmin.f32 v3, $1.000000000e+02  }
0x47: {  	v4 =	vmin.f32 v4, $1.000000000e+02;
	[tilespmem:v5+s15+$0x0] =	vst.idx.msk $0xffff, v3  }
0x48: {  	s3 =	simm.s32 $0x10;
	s9 =	simm.s32 $0x1780;
	v3 =	vmin.f32 v6, $1.000000000e+02;
	[tilespmem:v7+s15+$0x0] =	vst.idx.msk $0xffff, v4  }
.LBB2_5:
0x49: {  	[tilespmem:v2+s15+$0x0] =	vst.idx.msk $0xffff, v3;
	s0 =	sadd.s32 $0x10, s0;
	s30 =	sadd.s32 $0x10, s30;
	s31 =	sadd.s32 $0x10, s31  }
0x4a: {  	p1 =	sne.s32 s3, $0x7C0;
	s12 =	smov.u32 s3;
	s3 =	sadd.s32 $0x10, s3;
	v3 =	vld [tilespmem:s0+$0x0]  }
0x4b: {  	v2 =	vld [tilespmem:s30+$0x0]  }
0x4c: {  	v4 =	vld [tilespmem:s31+$0x0]  }
0x4d: {  	v5 =	vmov s12;
	v6 =	vld [tilespmem:s9+$0x0]  }
0x4e: {  	v5 =	vshll.u32 v5, $0x3  }
0x4f: {  	v5 =	vor.u32 v0, v5  }
0x50: {  	v8 =	vor.u32 $0x1, v5;
	v7 =	vmul.f32 v2, v3  }
.Ltmp1:
0x51: {  	v2 =	vor.u32 $0x2, v5;
	v4 =	vmul.f32 v4, v3;
	(pc) =	sbr.rel @p1 .LBB2_5-.Ltmp1, $4  }
0x52: {  	v7 =	vmax.f32 v7, $-1.000000000e+02;
	v3 =	vmul.f32 v6, v3  }
0x53: {  	v6 =	vmin.f32 v7, $1.000000000e+02;
	v4 =	vmax.f32 v4, $-1.000000000e+02  }
0x54: {  	v4 =	vmin.f32 v4, $1.000000000e+02;
	v3 =	vmax.f32 v3, $-1.000000000e+02;
	[tilespmem:v5+s15+$0x0] =	vst.idx.msk $0xffff, v6  }
0x55: {  	s9 =	sadd.s32 $0x10, s9;
	v3 =	vmin.f32 v3, $1.000000000e+02;
	[tilespmem:v8+s15+$0x0] =	vst.idx.msk $0xffff, v4  }
0x56: {  	_ =	sdelay $0x3  }
0x57: {  	[tilespmem:v2+s15+$0x0] =	vst.idx.msk $0xffff, v3;
	s0 =	simm.s32 $0x0  }
0x58: {  	[spmem:s1] =	stream.indirect.scatter.add.f32 [tilespmem:s15], [sflag:$0x1], $0x4, s0, s17, $0xb8;
	[tilespmem:$0x9670] =	vst v63  }
0x59: {  	s30 =	simm.s32 $0x2990  }
0x5a: {  	[spmem:s1] =	stream.indirect.scatter.add.f32 [tilespmem:s30], [sflag:$0x1], $0x4, s17, s17, $0xb8;
	[tilespmem:$0x9670] =	vst v63  }
0x5b: {  	s31 =	simm.s32 $0xA0;
	s3 =	simm.s32 $0x2C10  }
0x5c: {  	[spmem:s1] =	stream.indirect.scatter.add.f32 [tilespmem:s3], [sflag:$0x1], $0x4, s31, s17, $0xb8;
	[tilespmem:$0x9670] =	vst v63  }
0x5d: {  	s9 =	simm.s32 $0xF0;
	s12 =	simm.s32 $0x2E90  }
0x5e: {  	[spmem:s1] =	stream.indirect.scatter.add.f32 [tilespmem:s12], [sflag:$0x1], $0x4, s9, s17, $0xb8;
	[tilespmem:$0x9670] =	vst v63  }
0x5f: {  	s30 =	simm.s32 $0x140;
	s31 =	simm.s32 $0x3110  }
0x60: {  	[spmem:s1] =	stream.indirect.scatter.add.f32 [tilespmem:s31], [sflag:$0x1], $0x4, s30, s17, $0xb8;
	[tilespmem:$0x9670] =	vst v63  }
0x61: {  	s9 =	simm.s32 $0x190;
	s12 =	simm.s32 $0x3390  }
0x62: {  	[spmem:s1] =	stream.indirect.scatter.add.f32 [tilespmem:s12], [sflag:$0x1], $0x4, s9, s17, $0xb8;
	[tilespmem:$0x9670] =	vst v63  }
0x63: {  	s30 =	simm.s32 $0x1E0;
	s31 =	simm.s32 $0x3610  }
0x64: {  	[spmem:s1] =	stream.indirect.scatter.add.f32 [tilespmem:s31], [sflag:$0x1], $0x4, s30, s17, $0xb8;
	[tilespmem:$0x9670] =	vst v63  }
0x65: {  	s9 =	simm.s32 $0x230;
	s12 =	simm.s32 $0x3890  }
0x66: {  	[spmem:s1] =	stream.indirect.scatter.add.f32 [tilespmem:s12], [sflag:$0x1], $0x4, s9, s17, $0xb8;
	[tilespmem:$0x9670] =	vst v63  }
0x67: {  	s30 =	simm.s32 $0x280;
	s31 =	simm.s32 $0x3B10  }
0x68: {  	[spmem:s1] =	stream.indirect.scatter.add.f32 [tilespmem:s31], [sflag:$0x1], $0x4, s30, s17, $0xb8;
	[tilespmem:$0x9670] =	vst v63  }
0x69: {  	s9 =	simm.s32 $0x2D0;
	s12 =	simm.s32 $0x3D90  }
0x6a: {  	[spmem:s1] =	stream.indirect.scatter.add.f32 [tilespmem:s12], [sflag:$0x1], $0x4, s9, s17, $0xb8;
	[tilespmem:$0x9670] =	vst v63  }
0x6b: {  	s30 =	simm.s32 $0x320;
	s31 =	simm.s32 $0x4010  }
0x6c: {  	[spmem:s1] =	stream.indirect.scatter.add.f32 [tilespmem:s31], [sflag:$0x1], $0x4, s30, s17, $0xb8;
	[tilespmem:$0x9670] =	vst v63  }
0x6d: {  	s9 =	simm.s32 $0x370;
	s12 =	simm.s32 $0x4290  }
0x6e: {  	[spmem:s1] =	stream.indirect.scatter.add.f32 [tilespmem:s12], [sflag:$0x1], $0x4, s9, s17, $0xb8;
	[tilespmem:$0x9670] =	vst v63  }
0x6f: {  	s30 =	simm.s32 $0x3C0;
	s31 =	simm.s32 $0x4510  }
0x70: {  	[spmem:s1] =	stream.indirect.scatter.add.f32 [tilespmem:s31], [sflag:$0x1], $0x4, s30, s17, $0xb8;
	[tilespmem:$0x9670] =	vst v63  }
0x71: {  	s9 =	simm.s32 $0x410;
	s12 =	simm.s32 $0x4790  }
0x72: {  	[spmem:s1] =	stream.indirect.scatter.add.f32 [tilespmem:s12], [sflag:$0x1], $0x4, s9, s17, $0xb8;
	[tilespmem:$0x9670] =	vst v63  }
0x73: {  	s30 =	simm.s32 $0x460;
	s31 =	simm.s32 $0x4A10  }
0x74: {  	[spmem:s1] =	stream.indirect.scatter.add.f32 [tilespmem:s31], [sflag:$0x1], $0x4, s30, s17, $0xb8;
	[tilespmem:$0x9670] =	vst v63  }
0x75: {  	s9 =	simm.s32 $0x4B0;
	s12 =	simm.s32 $0x4C90  }
0x76: {  	[spmem:s1] =	stream.indirect.scatter.add.f32 [tilespmem:s12], [sflag:$0x1], $0x4, s9, s17, $0xb8;
	[tilespmem:$0x9670] =	vst v63  }
0x77: {  	s30 =	simm.s32 $0x500;
	s31 =	simm.s32 $0x4F10  }
0x78: {  	[spmem:s1] =	stream.indirect.scatter.add.f32 [tilespmem:s31], [sflag:$0x1], $0x4, s30, s17, $0xb8;
	[tilespmem:$0x9670] =	vst v63  }
0x79: {  	s3 =	simm.s32 $0x550;
	s9 =	simm.s32 $0x5190  }
0x7a: {  	[spmem:s1] =	stream.indirect.scatter.add.f32 [tilespmem:s9], [sflag:$0x1], $0x4, s3, s17, $0xb8;
	[tilespmem:$0x9670] =	vst v63  }
0x7b: {  	s12 =	simm.s32 $0x5A0;
	s30 =	simm.s32 $0x5410  }
0x7c: {  	[spmem:s1] =	stream.indirect.scatter.add.f32 [tilespmem:s30], [sflag:$0x1], $0x4, s12, s17, $0xb8;
	[tilespmem:$0x9670] =	vst v63  }
0x7d: {  	s31 =	simm.s32 $0x5F0  }
0x7e: {  	[spmem:s1] =	stream.indirect.scatter.add.f32 [tilespmem:s13], [sflag:$0x1], $0x4, s31, s17, $0xb8;
	[tilespmem:$0x9670] =	vst v63  }
0x7f: {  	_ = 	snop  }
0x80: {  	[spmem:s1] =	stream.indirect.scatter.add.f32 [tilespmem:s25], [sflag:$0x1], $0x4, s14, s17, $0xb8;
	[tilespmem:$0x9670] =	vst v63  }
0x81: {  	_ = 	snop  }
0x82: {  	[spmem:s1] =	stream.indirect.scatter.add.f32 [tilespmem:s18], [sflag:$0x1], $0x4, s2, s17, $0xb8;
	[tilespmem:$0x9670] =	vst v63  }
0x83: {  	_ = 	snop  }
0x84: {  	[spmem:s1] =	stream.indirect.scatter.add.f32 [tilespmem:s20], [sflag:$0x1], $0x4, s19, s17, $0xb8;
	[tilespmem:$0x9670] =	vst v63  }
0x85: {  	_ = 	snop  }
0x86: {  	[spmem:s1] =	stream.indirect.scatter.add.f32 [tilespmem:s22], [sflag:$0x1], $0x4, s21, s17, $0xb8;
	[tilespmem:$0x9670] =	vst v63  }
0x87: {  	_ = 	snop  }
0x88: {  	[spmem:s1] =	stream.indirect.scatter.add.f32 [tilespmem:s24], [sflag:$0x1], $0x4, s23, s17, $0xb8;
	[tilespmem:$0x9670] =	vst v63  }
0x89: {  	_ =	swait.ge [sflag:s26], $0x140  }
0x8a: {  	[sflag:s26] =	ssyncset.done $0x0  }
0x8b: {  	[sflag:s26] =	ssyncadd.s32 $0xFFFFFEC0  }
0x8c: {  	_ =	swait.ge [sflag:s26], $0x140  }
0x8d: {  	[sflag:s26] =	ssyncset.done $0x0  }
0x8e: {  	[sflag:s26] =	ssyncadd.s32 $0xFFFFFEC0  }
0x8f: {  	_ =	swait.ge [sflag:s26], $0x140  }
0x90: {  	[sflag:s26] =	ssyncset.done $0x0  }
0x91: {  	[sflag:s26] =	ssyncadd.s32 $0xFFFFFEC0  }
0x92: {  	_ =	swait.ge [sflag:s26], $0x140  }
0x93: {  	[sflag:s26] =	ssyncset.done $0x0  }
0x94: {  	[sflag:s26] =	ssyncadd.s32 $0xFFFFFEC0  }
0x95: {  	_ =	swait.ge [sflag:s26], $0x140  }
0x96: {  	[sflag:s26] =	ssyncset.done $0x0  }
0x97: {  	[sflag:s26] =	ssyncadd.s32 $0xFFFFFEC0  }
0x98: {  	_ =	swait.ge [sflag:s26], $0x140  }
0x99: {  	[sflag:s26] =	ssyncset.done $0x0  }
0x9a: {  	[sflag:s26] =	ssyncadd.s32 $0xFFFFFEC0  }
0x9b: {  	_ =	swait.ge [sflag:s26], $0x140  }
0x9c: {  	[sflag:s26] =	ssyncset.done $0x0  }
0x9d: {  	[sflag:s26] =	ssyncadd.s32 $0xFFFFFEC0  }
0x9e: {  	_ =	swait.ge [sflag:s26], $0x140  }
0x9f: {  	[sflag:s26] =	ssyncset.done $0x0  }
0xa0: {  	[sflag:s26] =	ssyncadd.s32 $0xFFFFFEC0  }
0xa1: {  	_ =	swait.ge [sflag:s26], $0x140  }
0xa2: {  	[sflag:s26] =	ssyncset.done $0x0  }
0xa3: {  	[sflag:s26] =	ssyncadd.s32 $0xFFFFFEC0  }
0xa4: {  	_ =	swait.ge [sflag:s26], $0x140  }
0xa5: {  	[sflag:s26] =	ssyncset.done $0x0  }
0xa6: {  	[sflag:s26] =	ssyncadd.s32 $0xFFFFFEC0  }
0xa7: {  	_ =	swait.ge [sflag:s26], $0x140  }
0xa8: {  	[sflag:s26] =	ssyncset.done $0x0  }
0xa9: {  	[sflag:s26] =	ssyncadd.s32 $0xFFFFFEC0  }
0xaa: {  	_ =	swait.ge [sflag:s26], $0x140  }
0xab: {  	[sflag:s26] =	ssyncset.done $0x0  }
0xac: {  	[sflag:s26] =	ssyncadd.s32 $0xFFFFFEC0  }
0xad: {  	_ =	swait.ge [sflag:s26], $0x140  }
0xae: {  	[sflag:s26] =	ssyncset.done $0x0  }
0xaf: {  	[sflag:s26] =	ssyncadd.s32 $0xFFFFFEC0  }
0xb0: {  	_ =	swait.ge [sflag:s26], $0x140  }
0xb1: {  	[sflag:s26] =	ssyncset.done $0x0  }
0xb2: {  	[sflag:s26] =	ssyncadd.s32 $0xFFFFFEC0  }
0xb3: {  	_ =	swait.ge [sflag:s26], $0x140  }
0xb4: {  	[sflag:s26] =	ssyncset.done $0x0  }
0xb5: {  	[sflag:s26] =	ssyncadd.s32 $0xFFFFFEC0  }
0xb6: {  	_ =	swait.ge [sflag:s26], $0x140  }
0xb7: {  	[sflag:s26] =	ssyncset.done $0x0  }
0xb8: {  	[sflag:s26] =	ssyncadd.s32 $0xFFFFFEC0  }
0xb9: {  	_ =	swait.ge [sflag:s26], $0x140  }
0xba: {  	[sflag:s26] =	ssyncset.done $0x0  }
0xbb: {  	[sflag:s26] =	ssyncadd.s32 $0xFFFFFEC0  }
0xbc: {  	_ =	swait.ge [sflag:s26], $0x140  }
0xbd: {  	[sflag:s26] =	ssyncset.done $0x0  }
0xbe: {  	[sflag:s26] =	ssyncadd.s32 $0xFFFFFEC0  }
0xbf: {  	_ =	swait.ge [sflag:s26], $0x140  }
0xc0: {  	[sflag:s26] =	ssyncset.done $0x0  }
0xc1: {  	[sflag:s26] =	ssyncadd.s32 $0xFFFFFEC0  }
0xc2: {  	_ =	swait.ge [sflag:s26], $0x140  }
0xc3: {  	[sflag:s26] =	ssyncset.done $0x0  }
0xc4: {  	[sflag:s26] =	ssyncadd.s32 $0xFFFFFEC0  }
0xc5: {  	_ =	swait.ge [sflag:s26], $0x140  }
0xc6: {  	[sflag:s26] =	ssyncset.done $0x0  }
0xc7: {  	[sflag:s26] =	ssyncadd.s32 $0xFFFFFEC0  }
0xc8: {  	_ =	swait.ge [sflag:s26], $0x140  }
0xc9: {  	[sflag:s26] =	ssyncset.done $0x0  }
0xca: {  	[sflag:s26] =	ssyncadd.s32 $0xFFFFFEC0  }
0xcb: {  	_ =	swait.ge [sflag:s26], $0x140  }
0xcc: {  	[sflag:s26] =	ssyncset.done $0x0  }
0xcd: {  	s29 =	sadd.s32 $0x1, s29;
	[sflag:s26] =	ssyncadd.s32 $0xFFFFFEC0  }
0xce: {  	p1 =	sne.s32 s29, $0x19;
	_ =	swait.ge [sflag:s26], $0x140  }
.Ltmp2:
0xcf: {  	[sflag:s26] =	ssyncset.done $0x0;
	(pc) =	sbr.rel @p1 .LBB2_4-.Ltmp2, $4  }
0xd0: {  	[sflag:s26] =	ssyncadd.s32 $0xFFFFFEC0  }
0xd1: {  	_ =	swait.ge [sflag:s26], $0x140  }
0xd2: {  	[sflag:s26] =	ssyncset.done $0x0  }
0xd3: {  	[sflag:s26] =	ssyncadd.s32 $0xFFFFFEC0  }
0xd4: {  	s0 =	stileid.u32;
	[bflag:$0x0] =	sbarrier.arrive $0xFFFF  }
0xd5: {  	s0 =	sshll.u32 s0, $0x6;
	s3 =	rddreg [dreg:$0x4]  }
0xd6: {  	s9 =	rddreg [dreg:$0x7];
	s0 =	sor.u32 $0x1C02, s0  }
0xd7: {  	[hbm:s3], [sflag:s0] =	dma.local [spmem:s9], $0xC38  }
0xd8: {  	_ =	swait.ge [sflag:s16], $0xC38  }
0xd9: {  	s30 =	rddreg [dreg:$0x8]  }
0xda: {  	s31 =	rddreg [dreg:$0x5];
	s3 =	sadd.s32 $0x1, s30  }
0xdb: {  	p1 =	sne.s32 s3, s31  }
.Ltmp3:
0xdc: {  	_ = 	snop;
	(pc) =	sbr.rel @p1 .LBB2_1-.Ltmp3, $3  }
0xdd: {  	_ =	sdelay $0x1  }
0xde: {  	[sflag:s16] =	ssyncset.done $0x0  }
0xdf: {  	[sflag:s16] =	ssyncadd.s32 $0xFFFFF3C8  }
0xe0: {  	_ =	sfence.sel $0x180000  }
0xe1: {  	[bflag:$0x0] =	sbarrier.arrive $0xFFFF  }
0xe2: {  	_ =	strace $0x9000004A  }
0xe3: {  	[bflag:$0x2] =	sbarrier.arrive $0xFFFF  }
0xe4: {  	s0 =	rddreg [dreg:$0x2]  }
0xe5: {  	s0 =	sadd.s32 @!p0 $0x100000, s0  }
0xe6: {  	[sflag:s0] =	ssyncadd.tile.s32 @!p0 $0x1;
	_ =	shalt  }
.Lfunc_end2:
_tile_overlayer_lowered:
.L_overlay_start_2:
0xe7: {  	(tag) =	ssettag $0x2  }
0xe8: {  	s0 =	rddreg [dreg:$0x0];
	s2 =	stileid.u32  }
0xe9: {  	s1 =	rddreg [dreg:$0x1];
	p0 =	sne.s32 s2, $0x0  }
0xea: {  	s3 =	rddreg [dreg:$0x2];
	[bflag:$0x3] =	sbarrier.arrive $0xFFFF;
	s2 =	simm.s32 @!p0 $0x1C02  }
0xeb: {  	[timem:s3], [sflag:s2] =	dma.local @!p0 [hbm:s0], s1  }
0xec: {  	s0 =	simm.s32 @!p0 $0x2  }
0xed: {  	_ =	swait.ge @!p0 [sflag:s0], s1  }
0xee: {  	s1 =	ssub.s32 @!p0 $0x0, s1;
	[sflag:s0] =	ssyncset.done @!p0 $0x0  }
0xef: {  	[sflag:s0] =	ssyncadd.s32 @!p0 s1  }
0xf0: {  	[bflag:$0x3] =	sbarrier.arrive $0xFFFF  }
0xf1: {  	_ =	shalt  }

// kernel: kernel.7.cloned.1.call-start
scs
__scs_entry_jumppad:
0x0: {  	(pc) =	sbr.rel $0x88, $3  }
0x1: {  	(tag) =	ssettag $0x0;
	lr =	simm.s32 $0x1  }
0x2: {  	[smem:$0x3F95] =	sst lr;
	_ =	strace $0xD0000000  }
0x3: {  	_ = 	snop  }
0x4: {  	_ = 	snop  }
0x5: {  	_ = 	snop  }
0x6: {  	_ = 	snop  }
0x7: {  	_ = 	snop  }
__scs_overlays_trampoline_lowered:
0x8: {  	[smem:$0x3FA4] =	sst s0  }
0x9: {  	[smem:$0x3FA5] =	sst s1  }
0xa: {  	[smem:$0x3FA6] =	sst s2  }
0xb: {  	[smem:$0x3FA7] =	sst s3  }
0xc: {  	[smem:$0x3FA8] =	sst s4  }
0xd: {  	[smem:$0x3FA9] =	sst s5  }
0xe: {  	[smem:$0x3FAA] =	sst s6  }
0xf: {  	[smem:$0x3FAB] =	sst s7  }
0x10: {  	[smem:$0x3FAC] =	sst s8  }
0x11: {  	[smem:$0x3FAD] =	sst s9;
	s0 =	simm.s32 @!p0 $0x0  }
0x12: {  	s1 =	sld [smem:$0x3F93];
	s0 =	simm.s32 @p0 $0x1  }
0x13: {  	[smem:$0x3FAE] =	sst s0;
	s0 =	simm.s32 @!p1 $0x0  }
0x14: {  	s2 =	sld [smem:$0x3F92];
	s0 =	simm.s32 @p1 $0x1  }
0x15: {  	[smem:$0x3FAF] =	sst s0;
	s0 =	simm.s32 @!p2 $0x0  }
0x16: {  	s3 =	sld [smem:$0x3FDB];
	s0 =	simm.s32 @p2 $0x1  }
0x17: {  	s4 =	simm.s32 $0x1BF5;
	[smem:$0x3FB1] =	sst s0  }
0x18: {  	s0 =	sld [smem:$0x3F94];
	_ =	swait.ge [sflag:s4], $0x0  }
0x19: {  	s7 =	sld [smem:$0x3F95]  }
0x1a: {  	s8 =	sadd.s32 $0xFFFFE003, lr  }
0x1b: {  	s9 =	sadd.s32 $0xFFFFFEF7, lr;
	s5 =	simm.s32 $0xFFFFFFFF;
	p2 =	slt.u32 s8, $0xFFFFF086  }
0x1c: {  	p1 =	slt.u32 s9, $0xF7A;
	s5 =	simm.s32 @!p2 $0x0  }
0x1d: {  	s5 =	simm.s32 @p1 $0x1;
	p0 =	seq.s32 s7, s2  }
0x1e: {  	s7 =	smul.u32 @!p0 $0xF7A, s2;
	p2 =	seq.s32 @!p0 s5, $0x0  }
0x1f: {  	s9 =	smul.u32 $0xF7A, s1;
	s8 =	simm.s32 @!p0 $0x1BF5;
	p2 =	por !p2, p0  }
0x20: {  	[sflag:s8] =	ssyncset.s32 @!p0 $0xFFFFF086;
	s6 =	sadd.s32 @!p0 s3, s7;
	s7 =	simm.s32 @!p0 $0x108  }
0x21: {  	s3 =	sadd.s32 s3, s9;
	s6 =	sadd.s32 @!p0 $0x88, s6;
	s7 =	simm.s32 @p2 $0x1082  }
0x22: {  	[simem:s7], [sflag:s8] =	dma.local @!p0 [hbm:s6], $0xF7A  }
0x23: {  	s9 =	sor.u32 $0xD0000000, s2;
	s6 =	simm.s32 $0x108;
	_ =	swait.ge @!p0 [sflag:s8], $0x0  }
0x24: {  	s3 =	sadd.s32 $0x88, s3;
	s6 =	simm.s32 @!p1 $0x1082;
	[sflag:s4] =	ssyncset.s32 $0xFFFFF086  }
0x25: {  	[simem:s6], [sflag:s4] =	dma.local [hbm:s3], $0xF7A  }
0x26: {  	[smem:$0x3F95] =	sst s1;
	(tag) =	ssettag s2;
	_ =	strace s9  }
0x27: {  	s1 =	sld [smem:$0x3FA5]  }
0x28: {  	s2 =	sld [smem:$0x3FA6]  }
0x29: {  	s4 =	sld [smem:$0x3FA8]  }
0x2a: {  	p0 =	seq.s32 s5, $0x0;
	s5 =	sld [smem:$0x3FA9]  }
0x2b: {  	s6 =	sld [smem:$0x3FAA]  }
0x2c: {  	s7 =	sld [smem:$0x3FAB]  }
0x2d: {  	s3 =	simm.s32 $0x108;
	s8 =	sld [smem:$0x3FAC]  }
0x2e: {  	s3 =	simm.s32 @!p0 $0x1082;
	s9 =	sld [smem:$0x3FAD]  }
0x2f: {  	lr =	sadd.s32 s0, s3;
	s0 =	sld [smem:$0x3FA4]  }
0x30: {  	s3 =	sld [smem:$0x3FA7]  }
0x31: {  	[smem:$0x3FB0] =	sst s10  }
0x32: {  	s10 =	sld [smem:$0x3FAE];
	_ =	sdelay $0x3  }
0x33: {  	p0 =	seq.s32 s10, $0x1;
	s10 =	sld [smem:$0x3FB0];
	_ =	sdelay $0x3  }
0x34: {  	[smem:$0x3FB0] =	sst s10  }
0x35: {  	s10 =	sld [smem:$0x3FAF];
	_ =	sdelay $0x3  }
0x36: {  	p1 =	seq.s32 s10, $0x1;
	s10 =	sld [smem:$0x3FB0];
	_ =	sdelay $0x3  }
0x37: {  	[smem:$0x3FB0] =	sst s10  }
0x38: {  	s10 =	sld [smem:$0x3FB1]  }
0x39: {  	_ = 	snop;
	(pc) =	sbr.ind lr, $3  }
0x3a: {  	_ = 	snop  }
0x3b: {  	_ = 	snop  }
0x3c: {  	p2 =	seq.s32 s10, $0x1;
	s10 =	sld [smem:$0x3FB0]  }
0x3d: {  	_ =	shalt  }
0x3e: {  	_ =	shalt  }
0x3f: {  	_ =	shalt  }
0x40: {  	_ =	shalt  }
0x41: {  	_ =	shalt  }
0x42: {  	_ =	shalt  }
0x43: {  	_ =	shalt  }
0x44: {  	_ =	shalt  }
0x45: {  	_ =	shalt  }
0x46: {  	_ =	shalt  }
0x47: {  	_ =	shalt  }
0x48: {  	_ =	shalt  }
0x49: {  	_ =	shalt  }
0x4a: {  	_ =	shalt  }
0x4b: {  	_ =	shalt  }
0x4c: {  	_ =	shalt  }
0x4d: {  	_ =	shalt  }
0x4e: {  	_ =	shalt  }
0x4f: {  	_ =	shalt  }
0x50: {  	_ =	shalt  }
0x51: {  	_ =	shalt  }
0x52: {  	_ =	shalt  }
0x53: {  	_ =	shalt  }
0x54: {  	_ =	shalt  }
0x55: {  	_ =	shalt  }
0x56: {  	_ =	shalt  }
0x57: {  	_ =	shalt  }
0x58: {  	_ =	shalt  }
0x59: {  	_ =	shalt  }
0x5a: {  	_ =	shalt  }
0x5b: {  	_ =	shalt  }
0x5c: {  	_ =	shalt  }
0x5d: {  	_ =	shalt  }
0x5e: {  	_ =	shalt  }
0x5f: {  	_ =	shalt  }
0x60: {  	_ =	shalt  }
0x61: {  	_ =	shalt  }
0x62: {  	_ =	shalt  }
0x63: {  	_ =	shalt  }
0x64: {  	_ =	shalt  }
0x65: {  	_ =	shalt  }
0x66: {  	_ =	shalt  }
0x67: {  	_ =	shalt  }
0x68: {  	_ =	shalt  }
0x69: {  	_ =	shalt  }
0x6a: {  	_ =	shalt  }
0x6b: {  	_ =	shalt  }
0x6c: {  	_ =	shalt  }
0x6d: {  	_ =	shalt  }
0x6e: {  	_ =	shalt  }
0x6f: {  	_ =	shalt  }
0x70: {  	_ =	shalt  }
0x71: {  	_ =	shalt  }
0x72: {  	_ =	shalt  }
0x73: {  	_ =	shalt  }
0x74: {  	_ =	shalt  }
0x75: {  	_ =	shalt  }
0x76: {  	_ =	shalt  }
0x77: {  	_ =	shalt  }
0x78: {  	_ =	shalt  }
0x79: {  	_ =	shalt  }
0x7a: {  	_ =	shalt  }
0x7b: {  	_ =	shalt  }
0x7c: {  	_ =	shalt  }
0x7d: {  	_ =	shalt  }
0x7e: {  	_ =	shalt  }
0x7f: {  	_ =	shalt  }
0x80: {  	_ =	shalt  }
0x81: {  	_ =	shalt  }
0x82: {  	_ =	shalt  }
0x83: {  	_ =	shalt  }
0x84: {  	_ =	shalt  }
0x85: {  	_ =	shalt  }
0x86: {  	_ =	shalt  }
0x87: {  	_ =	shalt  }
.Lfunc_end0:
.L_simem_size_0:
called_computation_lowered:
.L_overlay_start_0:
0x88: {  	s2 =	sld [smem:$0x3FD9]  }
0x89: {  	s3 =	sld [smem:$0x3FFE];
	_ =	sdelay $0x1  }
0x8a: {  	s1 =	srdreg.scid  }
0x8b: {  	s0 =	sand.u32 $0x1, s1  }
0x8c: {  	s16 =	sshll.u32 s0, $0xA;
	s2 =	sadd.s32 s3, s2  }
0x8d: {  	s2 =	sadd.s32 s2, s16  }
0x8e: {  	[smem:$0x3FBC] =	sst s2  }
0x8f: {  	_ = 	snop  }
0x90: {  	(tm) =	ssettm $0x1  }
0x91: {  	s17 =	sld [smem:$0x3FFB];
	_ =	sdelay $0x3  }
0x92: {  	_ =	strace s17  }
0x93: {  	s2 =	sld [smem:$0x3FFC];
	_ =	sdelay $0x3  }
0x94: {  	_ =	strace s2  }
0x95: {  	s2 =	sld [smem:$0x3FFD];
	_ =	sdelay $0x3  }
0x96: {  	_ =	strace s2  }
0x97: {  	_ =	strace $0x8FFFFFFF  }
0x98: {  	s18 =	sld [smem:$0x3FDB];
	_ =	sdelay $0x1  }
0x99: {  	s19 =	simm.s32 $_scs_section_size  }
0x9a: {  	s4 =	simm.s32 $_size__tile_overlayer_lowered;
	s5 =	simm.s32 $_tile_overlayer_lowered  }
0x9b: {  	s22 =	simm.s32 $0x1BFF;
	s21 =	sshll.u32 s5, $0x1;
	s2 =	sadd.s32 s19, s18  }
0x9c: {  	s6 =	simm.s32 $0x0;
	s20 =	sshll.u32 s4, $0x1;
	s4 =	sadd.s32 s21, s2  }
0x9d: {  	[timem:s6], [sflag:s22] =	dma.local [hbm:s4], s20  }
0x9e: {  	_ =	swait.ge [sflag:s22], s20  }
0x9f: {  	s3 =	ssub.s32 $0x0, s20;
	[sflag:s22] =	ssyncset.done $0x0  }
0xa0: {  	[sflag:s22] =	ssyncadd.s32 s3;
	_ =	sdelay $0x1  }
0xa1: {  	s23 =	simm.s32 $0x1B8B  }
0xa2: {  	_ =	swait.ge [sflag:s23], $0x1  }
0xa3: {  	[sflag:s23] =	ssyncset.done $0x0  }
0xa4: {  	s25 =	simm.s32 $0x1B8E;
	s24 =	sld [smem:$0x3FFE];
	[sflag:s23] =	ssyncadd.s32 $0xFFFFFFFF  }
0xa5: {  	s26 =	simm.s32 $execute0_lowered;
	[smem:$0x3FD2] =	sst s25  }
0xa6: {  	s4 =	sshll.u32 s26, $0x1;
	_ =	strace $0x80000046;
	[dreg:$0x1] =	wrdreg $0xFFFFFFFF  }
0xa7: {  	s28 =	simm.s32 $_size_execute0_lowered;
	s2 =	sadd.s32 s2, s4;
	[dreg:$0x0] =	wrdreg $0x0  }
0xa8: {  	s4 =	sshll.u32 s28, $0x1;
	[dreg:$0x2] =	wrdreg s2  }
0xa9: {  	[dreg:$0x3] =	wrdreg s4  }
0xaa: {  	[dreg:$0x4] =	wrdreg $0xC0  }
0xab: {  	_ =	task [dreg:s6], $0x5FFFF  }
0xac: {  	[dreg:$0x1] =	wrdreg $0xFFFFFFFF  }
0xad: {  	[dreg:$0x0] =	wrdreg $0x60  }
0xae: {  	[dreg:$0x2] =	wrdreg s24  }
0xaf: {  	[dreg:$0x3] =	wrdreg $0x9  }
0xb0: {  	_ =	task.clear_ibuf [dreg:s6], $0x4FFFF;
	_ =	strace $0x90000046  }
0xb1: {  	s29 =	simm.s32 $0x9;
	_ =	strace $0x80000048  }
0xb2: {  	_ =	swait.ge [sflag:s29], $0x1  }
0xb3: {  	[sflag:s29] =	ssyncadd.s32 $0xFFFFFFFF  }
0xb4: {  	_ =	strace $0x90000048  }
0xb5: {  	_ =	sfence  }
0xb6: {  	s30 =	sld [smem:$0x0];
	_ =	sdelay $0x2  }
0xb7: {  	s31 =	sshll.u32 s1, $0xD;
	s1 =	sshrl.u32 s1, $0x2  }
0xb8: {  	s3 =	sand.u32 $0x4000, s31;
	s1 =	sadd.s32 s1, s30  }
0xb9: {  	s0 =	sor.u32 s3, s0;
	s1 =	sshll.u32 s1, $0x11  }
0xba: {  	s0 =	sor.u32 s1, s0  }
0xbb: {  	s0 =	sadd.s32 $0x8F2B, s0  }
0xbc: {  	[sflag:s0] =	ssyncadd.remote.s32 $0x1  }
0xbd: {  	_ =	sfence.sel $0xFFFF  }
0xbe: {  	[dreg:$0x0] =	wrdreg $0xFFFFFFFF;
	(pc) =	sbr.abs _section_cstart, $3  }
0xbf: {  	[dreg:$0x1] =	wrdreg $0xFFFFFFFF  }
0xc0: {  	_ =	task.clear_ibuf [dreg:s6], $0x2FFFF;
	_ =	strace $0x9FFFFFFF  }
0xc1: {  	(tm) =	ssettm $0x7FFFFFFF  }
tec
execute0_lowered:
.L_overlay_start_1:
0x0: {  	(tag) =	ssettag $0x1  }
0x1: {  	s0 =	rddreg [dreg:$0x0];
	s1 =	simm.s32 $0x0;
	s3 =	srdreg.scid  }
0x2: {  	s8 =	stileid.u32;
	s14 =	simm.s32 $0x2;
	s16 =	simm.s32 $0x50  }
0x3: {  	s17 =	simm.s32 $0x1;
	s18 =	simm.s32 $0xFA0;
	s19 =	simm.s32 $0x4E20  }
0x4: {  	s22 =	simm.s32 $0x9C40;
	s23 =	simm.s32 $0xA410;
	s24 =	simm.s32 $0xABE0  }
0x5: {  	[smem:$0x7FF] =	sst s1;
	s2 =	sadd.s32 $0x126C00, s0;
	s4 =	sadd.s32 $0x32800, s0  }
0x6: {  	s5 =	sadd.s32 $0x1A00, s0;
	s6 =	sadd.s32 $0x63600, s0;
	s3 =	sand.u32 $0x1, s3  }
0x7: {  	s7 =	sadd.s32 $0x94400, s0;
	s9 =	sshll.u32 s8, $0x1;
	s10 =	ssub.s32 $0x2, s3  }
0x8: {  	s8 =	sadd.s32 $0xC5200, s0;
	s3 =	sor.u32 s3, s9;
	s11 =	sshrl.u32 s10, $0x1  }
0x9: {  	_ =	strace $0x80000047;
	s12 =	smul.u32 $0xC350, s3;
	s13 =	ssub.s32 s10, s11  }
0xa: {  	v0 =	vlaneseq.u32;
	s9 =	sadd.s32 $0x133000, s0;
	s10 =	smul.u32 $0x19, s3;
	s31 =	smax.u32 s13, $0x1  }
0xb: {  	v0 =	vmul.u32 $0x8, v0;
	s11 =	sadd.s32 $0x163E00, s0;
	s3 =	simm.s32 $0x0;
	[dreg:$0x2] =	wrdreg s31  }
.LBB2_1:
0xc: {  	[dreg:$0x3] =	wrdreg s3;
	s26 =	simm.s32 $0x0  }
.LBB2_2:
0xd: {  	s0 =	sadd.s32 s10, s26  }
0xe: {  	s0 =	smul.u32 $0xFA, s0;
	_ =	sdelay $0x1  }
0xf: {  	s13 =	simm.s32 $0x0;
	s3 =	sadd.s32 s4, s0  }
0x10: {  	[tilespmem:s13], [sflag:$0x2] =	stream.linear.gather [hbm4b:s3+s13], $0x7D0, $0x38;
	[tilespmem:$0xB3B0] =	vst v63  }
0x11: {  	_ =	swait.ge [sflag:s14], $0x7D0  }
0x12: {  	[sflag:s14] =	ssyncset.done $0x0  }
0x13: {  	s28 =	simm.s32 $0x7D0;
	s0 =	sadd.s32 s5, s0;
	[sflag:s14] =	ssyncadd.s32 $0xFFFFF830  }
0x14: {  	[tilespmem:s28], [sflag:$0x2] =	stream.linear.gather [hbm4b:s0+s13], $0x7D0, $0x38;
	[tilespmem:$0xB3B0] =	vst v63  }
0x15: {  	_ =	swait.ge [sflag:s14], $0x7D0  }
0x16: {  	s29 =	simm.s32 $0xFA0;
	[sflag:s14] =	ssyncset.done $0x0  }
0x17: {  	s30 =	simm.s32 $0x0;
	s31 =	simm.s32 $0x7D0;
	[sflag:s14] =	ssyncadd.s32 $0xFFFFF830  }
0x18: {  	[tilespmem:s29], [sflag:$0x1] =	stream.indirect.gather [hbm4b:s2+s16], $0x4, s30, s16, $0xb8;
	[tilespmem:$0xB3B0] =	vst v63  }
0x19: {  	s3 =	simm.s32 $0x140;
	s0 =	simm.s32 $0x4E20;
	s13 =	simm.s32 $0x1220  }
0x1a: {  	[tilespmem:s0], [sflag:$0x1] =	stream.indirect.gather [hbm4b:s2+s16], $0x4, s31, s16, $0xb8;
	[tilespmem:$0xB3B0] =	vst v63  }
.LBB2_3:
0x1b: {  	s15 =	sshra.s32 s3, $0x2;
	p0 =	sne.s32 s3, $0x1E00;
	s3 =	sadd.s32 $0x140, s3  }
0x1c: {  	[tilespmem:s13], [sflag:$0x1] =	stream.indirect.gather [hbm4b:s2+s16], $0x4, s15, s16, $0xb8;
	[tilespmem:$0xB3B0] =	vst v63  }
.Ltmp0:
0x1d: {  	_ = 	snop;
	(pc) =	sbr.rel @p0 .LBB2_3-.Ltmp0, $4  }
0x1e: {  	s0 =	sadd.s32 $0x280, s0;
	s15 =	sadd.s32 $0x7D0, s15  }
0x1f: {  	[tilespmem:s0], [sflag:$0x1] =	stream.indirect.gather [hbm4b:s2+s16], $0x4, s15, s16, $0xb8;
	[tilespmem:$0xB3B0] =	vst v63  }
0x20: {  	_ = 	snop  }
0x21: {  	s13 =	sadd.s32 $0x280, s13  }
0x22: {  	_ =	swait.ge [sflag:s17], $0x140  }
0x23: {  	[sflag:s17] =	ssyncset.done $0x0  }
0x24: {  	[sflag:s17] =	ssyncadd.s32 $0xFFFFFEC0  }
0x25: {  	_ =	swait.ge [sflag:s17], $0x140  }
0x26: {  	s0 =	simm.s32 $0x18;
	[sflag:s17] =	ssyncset.done $0x0  }
.LBB2_5:
0x27: {  	p0 =	sne.s32 s0, $0x1;
	s0 =	sadd.s32 $0xFFFFFFFF, s0;
	[sflag:s17] =	ssyncadd.s32 $0xFFFFFEC0  }
.Ltmp1:
0x28: {  	_ =	swait.ge [sflag:s17], $0x140;
	(pc) =	sbr.rel @p0 .LBB2_5-.Ltmp1, $4  }
0x29: {  	[sflag:s17] =	ssyncset.done $0x0  }
0x2a: {  	[sflag:s17] =	ssyncadd.s32 $0xFFFFFEC0  }
0x2b: {  	_ =	swait.ge [sflag:s17], $0x140  }
0x2c: {  	[sflag:s17] =	ssyncset.done $0x0  }
0x2d: {  	s0 =	simm.s32 $0x0  }
0x2e: {  	v1 =	vmov s0  }
0x2f: {  	v1 =	vshll.u32 v1, $0x3  }
0x30: {  	v1 =	vor.u32 v0, v1;
	_ =	sdelay $0x1  }
0x31: {  	v2 =	vor.u32 $0x1, v1;
	_ =	sdelay $0x1  }
0x32: {  	[sflag:s17] =	ssyncadd.s32 $0xFFFFFEC0;
	v3 =	vor.u32 $0x2, v1  }
0x33: {  	v4 =	vld.idx.msk [tilespmem:v1+s18+$0x0], $0xffff  }
0x34: {  	v5 =	vld.idx.msk [tilespmem:v1+s19+$0x0], $0xffff  }
0x35: {  	v6 =	vld.idx.msk [tilespmem:v2+s18+$0x0], $0xffff  }
0x36: {  	v7 =	vld.idx.msk [tilespmem:v2+s19+$0x0], $0xffff  }
0x37: {  	v8 =	vld.idx.msk [tilespmem:v3+s18+$0x0], $0xffff  }
0x38: {  	v9 =	vld.idx.msk [tilespmem:v3+s19+$0x0], $0xffff;
	_ =	sdelay $0x2  }
0x39: {  	v3 =	vsub.f32 v4, v5;
	v2 =	vsub.f32 v6, v7;
	_ =	sdelay $0x1  }
0x3a: {  	v1 =	vsub.f32 v8, v9;
	v10 =	vmul.f32 v3, v3;
	v11 =	vmul.f32 v2, v2  }
0x3b: {  	v4 =	vmul.f32 v5, v4;
	v5 =	vmul.f32 v7, v6  }
0x3c: {  	v7 =	vmul.f32 v1, v1;
	v6 =	vadd.f32 v11, v10  }
0x3d: {  	v4 =	vadd.f32 v5, v4;
	v5 =	vmul.f32 v9, v8  }
0x3e: {  	s21 =	simm.s32 $0x10;
	v6 =	vadd.f32 v7, v6  }
0x3f: {  	s29 =	simm.s32 $0x8CA0;
	s28 =	simm.s32 $0x9470;
	s25 =	simm.s32 $0x9C40;
	v5 =	vadd.f32 v5, v4;
	v4 =	vmov s21  }
0x40: {  	s13 =	simm.s32 $0xA410;
	s3 =	simm.s32 $0xABE0;
	s15 =	simm.s32 $0x20;
	v4 =	vshll.u32 v4, $0x3;
	[tilespmem:s29+$0x0] =	vst v6  }
0x41: {  	s31 =	simm.s32 $0xA420;
	s30 =	simm.s32 $0xABF0;
	s0 =	simm.s32 $0x9C50;
	v4 =	vor.u32 v0, v4;
	[tilespmem:s28+$0x0] =	vst v5  }
.LBB2_7:
0x42: {  	s29 =	sadd.s32 $0x10, s29;
	s28 =	sadd.s32 $0x10, s28  }
0x43: {  	v5 =	vor.u32 $0x1, v4;
	[tilespmem:s25+$0x0] =	vst v3;
	s20 =	smov.u32 s15;
	s21 =	sadd.s32 $0x10, s15;
	s25 =	smov.u32 s0  }
0x44: {  	p0 =	sne.s32 s15, $0x7C0;
	[tilespmem:s13+$0x0] =	vst v2;
	s13 =	smov.u32 s31  }
0x45: {  	v2 =	vor.u32 $0x2, v4;
	[tilespmem:s3+$0x0] =	vst v1;
	s3 =	smov.u32 s30;
	_ =	sdelay $0x1  }
0x46: {  	v1 =	vld.idx.msk [tilespmem:v4+s18+$0x0], $0xffff  }
0x47: {  	v4 =	vld.idx.msk [tilespmem:v4+s19+$0x0], $0xffff  }
0x48: {  	v6 =	vld.idx.msk [tilespmem:v5+s18+$0x0], $0xffff  }
0x49: {  	v5 =	vld.idx.msk [tilespmem:v5+s19+$0x0], $0xffff  }
0x4a: {  	v7 =	vld.idx.msk [tilespmem:v2+s18+$0x0], $0xffff  }
0x4b: {  	v8 =	vld.idx.msk [tilespmem:v2+s19+$0x0], $0xffff;
	_ =	sdelay $0x1  }
0x4c: {  	v3 =	vsub.f32 v1, v4;
	v4 =	vmul.f32 v4, v1;
	_ =	sdelay $0x1  }
0x4d: {  	v2 =	vsub.f32 v6, v5;
	v5 =	vmul.f32 v5, v6;
	_ =	sdelay $0x1  }
0x4e: {  	v6 =	vmul.f32 v3, v3;
	v1 =	vsub.f32 v7, v8;
	v9 =	vmul.f32 v2, v2  }
0x4f: {  	v4 =	vadd.f32 v5, v4;
	v5 =	vmul.f32 v8, v7  }
0x50: {  	v6 =	vadd.f32 v9, v6;
	v7 =	vmul.f32 v1, v1  }
.Ltmp2:
0x51: {  	v5 =	vadd.f32 v5, v4;
	(pc) =	sbr.rel @p0 .LBB2_7-.Ltmp2, $4  }
0x52: {  	v4 =	vadd.f32 v7, v6  }
0x53: {  	v6 =	vmov s20  }
0x54: {  	s0 =	sadd.s32 $0x10, s0;
	v6 =	vshll.u32 v6, $0x3;
	[tilespmem:s29+$0x0] =	vst v4  }
0x55: {  	s31 =	sadd.s32 $0x10, s31;
	s15 =	smov.u32 s21;
	s30 =	sadd.s32 $0x10, s30;
	v4 =	vor.u32 v0, v6;
	[tilespmem:s28+$0x0] =	vst v5  }
0x56: {  	_ = 	snop  }
0x57: {  	v5 =	vor.u32 $0x1, v4;
	[tilespmem:s25+$0x0] =	vst v3  }
0x58: {  	[tilespmem:s13+$0x0] =	vst v2  }
0x59: {  	v2 =	vor.u32 $0x2, v4;
	[tilespmem:s3+$0x0] =	vst v1  }
0x5a: {  	v1 =	vld.idx.msk [tilespmem:v4+s18+$0x0], $0xffff  }
0x5b: {  	v3 =	vld.idx.msk [tilespmem:v4+s19+$0x0], $0xffff  }
0x5c: {  	v61 =	vld.idx.msk [tilespmem:v5+s18+$0x0], $0xffff  }
0x5d: {  	v5 =	vld.idx.msk [tilespmem:v5+s19+$0x0], $0xffff  }
0x5e: {  	v6 =	vld.idx.msk [tilespmem:v2+s18+$0x0], $0xffff  }
0x5f: {  	v2 =	vld.idx.msk [tilespmem:v2+s19+$0x0], $0xffff;
	_ =	sdelay $0x2  }
0x60: {  	v7 =	vsub.f32 v1, v3;
	v8 =	vsub.f32 v61, v5;
	_ =	sdelay $0x1  }
0x61: {  	v10 =	vmul.f32 v7, v7;
	v9 =	vsub.f32 v6, v2;
	v11 =	vmul.f32 v8, v8  }
0x62: {  	v1 =	vmul.f32 v3, v1;
	v3 =	vmul.f32 v5, v61  }
0x63: {  	v63 =	vmul.f32 v9, v9;
	v62 =	vadd.f32 v11, v10  }
0x64: {  	v2 =	vmul.f32 v2, v6;
	v1 =	vadd.f32 v3, v1  }
0x65: {  	v3 =	vadd.f32 v63, v62  }
0x66: {  	s25 =	sadd.s32 $0x10, s29;
	v1 =	vadd.f32 v2, v1  }
0x67: {  	s29 =	sadd.s32 $0x10, s28;
	s15 =	smul.u32 $0x7D0, s26;
	[tilespmem:s25+$0x0] =	vst v3  }
0x68: {  	[tilespmem:s29+$0x0] =	vst v1  }
0x69: {  	s20 =	sadd.s32 s12, s15;
	[tilespmem:s0+$0x0] =	vst v7  }
0x6a: {  	s0 =	sshrl.u32 s20, $0x3;
	[tilespmem:s31+$0x0] =	vst v8  }
0x6b: {  	s25 =	simm.s32 $0x8CA0;
	s21 =	sadd.s32 s6, s0;
	[tilespmem:s30+$0x0] =	vst v9  }
0x6c: {  	[hbm4b:s21+s1] =	stream.linear.scatter [tilespmem:s25], [sflag:$0x2], $0x7D0, $0x38;
	[tilespmem:$0xB3B0] =	vst v63  }
0x6d: {  	_ =	swait.ge [sflag:s14], $0x7D0  }
0x6e: {  	[sflag:s14] =	ssyncset.done $0x0  }
0x6f: {  	s29 =	simm.s32 $0x9470;
	s28 =	sadd.s32 s7, s0;
	[sflag:s14] =	ssyncadd.s32 $0xFFFFF830  }
0x70: {  	[hbm4b:s28+s1] =	stream.linear.scatter [tilespmem:s29], [sflag:$0x2], $0x7D0, $0x38;
	[tilespmem:$0xB3B0] =	vst v63  }
0x71: {  	_ =	swait.ge [sflag:s14], $0x7D0  }
0x72: {  	[sflag:s14] =	ssyncset.done $0x0  }
0x73: {  	s30 =	sadd.s32 s8, s0;
	[sflag:s14] =	ssyncadd.s32 $0xFFFFF830  }
0x74: {  	[hbm4b:s30+s1] =	stream.linear.scatter [tilespmem:s22], [sflag:$0x2], $0x7D0, $0x38;
	[tilespmem:$0xB3B0] =	vst v63  }
0x75: {  	_ =	swait.ge [sflag:s14], $0x7D0  }
0x76: {  	[sflag:s14] =	ssyncset.done $0x0  }
0x77: {  	s31 =	sadd.s32 s9, s0;
	[sflag:s14] =	ssyncadd.s32 $0xFFFFF830  }
0x78: {  	[hbm4b:s31+s1] =	stream.linear.scatter [tilespmem:s23], [sflag:$0x2], $0x7D0, $0x38;
	[tilespmem:$0xB3B0] =	vst v63  }
0x79: {  	s26 =	sadd.s32 $0x1, s26;
	_ =	swait.ge [sflag:s14], $0x7D0  }
0x7a: {  	p0 =	sne.s32 s26, $0x19;
	[sflag:s14] =	ssyncset.done $0x0  }
.Ltmp3:
0x7b: {  	s0 =	sadd.s32 s11, s0;
	[sflag:s14] =	ssyncadd.s32 $0xFFFFF830;
	(pc) =	sbr.rel @p0 .LBB2_2-.Ltmp3, $4  }
0x7c: {  	[hbm4b:s0+s1] =	stream.linear.scatter [tilespmem:s24], [sflag:$0x2], $0x7D0, $0x38;
	[tilespmem:$0xB3B0] =	vst v63  }
0x7d: {  	_ =	swait.ge [sflag:s14], $0x7D0  }
0x7e: {  	[sflag:s14] =	ssyncset.done $0x0  }
0x7f: {  	[sflag:s14] =	ssyncadd.s32 $0xFFFFF830  }
0x80: {  	s3 =	rddreg [dreg:$0x3]  }
0x81: {  	s0 =	rddreg [dreg:$0x2];
	s3 =	sadd.s32 $0x1, s3  }
0x82: {  	p0 =	sne.s32 s3, s0  }
.Ltmp4:
0x83: {  	_ = 	snop;
	(pc) =	sbr.rel @p0 .LBB2_1-.Ltmp4, $1  }
0x84: {  	_ =	sdelay $0x3  }
0x85: {  	_ =	sfence.sel $0x180000  }
0x86: {  	[bflag:$0x0] =	sbarrier.arrive $0xFFFF  }
0x87: {  	_ =	strace $0x90000047  }
0x88: {  	s0 =	stileid.u32;
	[bflag:$0x2] =	sbarrier.arrive $0xFFFF  }
0x89: {  	p0 =	sne.s32 s0, $0x0;
	s0 =	rddreg [dreg:$0x1]  }
0x8a: {  	s0 =	sadd.s32 @!p0 $0x100000, s0  }
0x8b: {  	[sflag:s0] =	ssyncadd.tile.s32 @!p0 $0x1;
	_ =	shalt  }
.Lfunc_end2:
_tile_overlayer_lowered:
.L_overlay_start_2:
0x8c: {  	(tag) =	ssettag $0x2  }
0x8d: {  	s0 =	rddreg [dreg:$0x0];
	s2 =	stileid.u32  }
0x8e: {  	s1 =	rddreg [dreg:$0x1];
	p0 =	sne.s32 s2, $0x0  }
0x8f: {  	s3 =	rddreg [dreg:$0x2];
	[bflag:$0x3] =	sbarrier.arrive $0xFFFF;
	s2 =	simm.s32 @!p0 $0x1C02  }
0x90: {  	[timem:s3], [sflag:s2] =	dma.local @!p0 [hbm:s0], s1  }
0x91: {  	s0 =	simm.s32 @!p0 $0x2  }
0x92: {  	_ =	swait.ge @!p0 [sflag:s0], s1  }
0x93: {  	s1 =	ssub.s32 @!p0 $0x0, s1;
	[sflag:s0] =	ssyncset.done @!p0 $0x0  }
0x94: {  	[sflag:s0] =	ssyncadd.s32 @!p0 s1  }
0x95: {  	[bflag:$0x3] =	sbarrier.arrive $0xFFFF  }
0x96: {  	_ =	shalt  }

</sc_bundles>
